<compile_context>
chip_gen: v7x
topology: tpu7x:2x2x1
jax: 0.10.2.dev20260603
libtpu: 0.0.44.dev20260713+nightly
codegen_flags: <defaults>
</compile_context>

<pallas_src>
import functools

import jax
import jax.numpy as jnp
from jax import lax
from jax.experimental import pallas as pl
from jax.experimental.pallas import tpu as pltpu
from jax.experimental.pallas import tpu_sc as plsc

_NC = 2
_NS = 16
_L = 16
_NW = _NC * _NS

_ROWS = 200
_COLS = 16384
_CPW = _COLS // _NW
_CHC = 256
_NCH = _CPW // _CHC
_NB = 2
_U = 2


def _sc_remap(xt, table16):
    mesh = plsc.VectorSubcoreMesh(core_axis_name="c", subcore_axis_name="s")

    @functools.partial(
        pl.kernel,
        out_type=jax.ShapeDtypeStruct((_ROWS, _COLS), jnp.int32),
        mesh=mesh,
        scratch_types=(
            [pltpu.VMEM((_ROWS, _CHC), jnp.int32) for _ in range(_NB)]
            + [pltpu.VMEM((_L,), jnp.int32)]
            + [pltpu.SemaphoreType.DMA for _ in range(2 * _NB)]
        ),
        compiler_params=pltpu.CompilerParams(needs_layout_passes=False),
    )
    def k(x_hbm, table_hbm, out_hbm, b0, b1, tbuf, *sems):
        bufs = (b0, b1)
        isems, osems = sems[:_NB], sems[_NB:]
        wid = lax.axis_index("s") * _NC + lax.axis_index("c")
        cbase = wid * _CPW

        def start_in(c):
            return pltpu.async_copy(
                x_hbm.at[:, pl.ds(cbase + c * _CHC, _CHC)], bufs[c % _NB],
                isems[c % _NB])

        ins = {0: start_in(0)}
        outs = {}

        pltpu.sync_copy(table_hbm, tbuf)

        tvec = tbuf[...]
        lanes = lax.iota(jnp.int32, _L)
        neg = jnp.int32(-(2**31))

        def lane(j):
            s = jnp.max(jnp.where(lanes == j, tvec, neg))
            return jnp.broadcast_to(s, (_L,))

        t0, t1, t2 = lane(0), lane(1), lane(2)
        tp = t0 | (t1 << 8) | (t2 << 16)
        mask = jnp.full((_L,), 0xFF, jnp.int32)
        three = jnp.full((_L,), 3, jnp.int32)

        for c in range(_NCH):
            buf = bufs[c % _NB]
            if c + 1 < _NCH:
                if c + 1 >= _NB:
                    outs[c + 1 - _NB].wait()
                ins[c + 1] = start_in(c + 1)
            ins[c].wait()

            @plsc.parallel_loop(0, _ROWS, 1, unroll=_U)
            def _(r):
                for j in range(_CHC // _L):
                    sl = pl.ds(j * _L, _L)
                    xv = buf[r, sl]
                    buf[r, sl] = jnp.right_shift(
                        tp, xv << three) & mask

            outs[c] = pltpu.async_copy(
                buf, out_hbm.at[:, pl.ds(cbase + c * _CHC, _CHC)],
                osems[c % _NB])

        for c in range(max(0, _NCH - _NB), _NCH):
            outs[c].wait()

    return k(xt, table16)


def kernel(inputs, lookup_table):
    table16 = jnp.zeros((_L,), jnp.int32).at[:3].set(
        lookup_table.astype(jnp.int32))
    x = inputs if inputs.dtype == jnp.int32 else inputs.astype(jnp.int32)
    out_t = _sc_remap(x.T, table16)
    out = out_t.T
    return out if out.dtype == lookup_table.dtype else out.astype(
        lookup_table.dtype)

# --- scband reference (transcript-rebuilt; emitter-appended) ---
"""Pipeline reference for scband-my-model-87522843560504 (READ-ONLY COPY).

The authoritative reference and input builder live on the scoring server;
editing this copy changes nothing except your own understanding.
"""

import jax, jax.numpy as jnp
import numpy as np

# The original Keras model is a StringLookup with vocabulary ['a', 'b'].
# StringLookup semantics (default num_oov_indices=1): OOV -> 0, 'a' -> 1, 'b' -> 2.
# Since JAX has no string dtype, the string inputs are pre-encoded as integer codes:
#   code 0 -> 'a', code 1 -> 'b', code 2 -> OOV string.
# The lookup is then a gather into a remap table: [1, 2, 0].

def setup_inputs(seed: int = 0) -> dict:
    key = jax.random.key(seed)
    inputs = jax.random.randint(key, (16384, 200), 0, 3, dtype=jnp.int64)
    # remap table implementing StringLookup(vocabulary=['a','b']) on pre-encoded codes
    lookup_table = jnp.array([1, 2, 0], dtype=jnp.int64)
    return {"inputs": inputs, "lookup_table": lookup_table}


def reference(inputs, lookup_table):
    # StringLookup: map each encoded string code to its vocabulary index (OOV -> 0)
    return jnp.take(lookup_table, inputs, axis=0)

if __name__ == "__main__":
    import jax
    _d = setup_inputs()
    print(jax.jit(kernel)(*tuple(_d.values())))

</pallas_src>

<mosaic_0001>
#map = affine_map<(d0, d1) -> (0, 0)>
#map1 = affine_map<(d0, d1) -> (0)>
module attributes {stable_mosaic.version = 14 : i64} {
  func.func @k(%arg0: i32, %arg1: i32, %arg2: memref<200x16384xi32, #tpu.memory_space<hbm>>, %arg3: memref<16xi32, #tpu.memory_space<hbm>>, %arg4: memref<200x16384xi32, #tpu.memory_space<hbm>>, %arg5: memref<200x256xi32, #tpu.memory_space<vmem>>, %arg6: memref<200x256xi32, #tpu.memory_space<vmem>>, %arg7: memref<16xi32, #tpu.memory_space<vmem>>, %arg8: memref<!tpu.dma_semaphore, #tpu.memory_space<semaphore_mem>>, %arg9: memref<!tpu.dma_semaphore, #tpu.memory_space<semaphore_mem>>, %arg10: memref<!tpu.dma_semaphore, #tpu.memory_space<semaphore_mem>>, %arg11: memref<!tpu.dma_semaphore, #tpu.memory_space<semaphore_mem>>) attributes {dimension_semantics = [#tpu.dimension_semantics<core_parallel>, #tpu.dimension_semantics<subcore_parallel>], iteration_bounds = array<i64: 2, 16>, scalar_prefetch = 0 : i64, scratch_operands = 7 : i64, tpu.core_type = #tpu.core_type<sc_vector_subcore>, window_params = [{transform_indices = #map}, {transform_indices = #map1}, {transform_indices = #map}]} {
    %mul3A = arith.constant 2 : i32
    %mul3A_0 = arith.muli %arg1, %mul3A : i32
    %add3A = arith.addi %mul3A_0, %arg0 : i32
    %mul3A_1 = arith.constant 512 : i32
    %mul3A_2 = arith.muli %add3A, %mul3A_1 : i32
    %add3A_3 = arith.constant 0 : i32
    %add3A_4 = arith.addi %mul3A_2, %add3A_3 : i32
    %dma_start3A = arith.constant 0 : i32
    %dma_start3A_5 = tpu.memref_slice %arg2[%dma_start3A, %add3A_4] : memref<200x16384xi32, #tpu.memory_space<hbm>> -> memref<200x256xi32, #tpu.memory_space<hbm>>
    %dma_start3A_6 = arith.constant 0 : i32
    %dma_start3A_7 = tpu.memref_slice %arg2[%dma_start3A_6, %add3A_4] : memref<200x16384xi32, #tpu.memory_space<hbm>> -> memref<200x256xi32, #tpu.memory_space<hbm>>
    tpu.enqueue_dma source(%dma_start3A_7 : memref<200x256xi32, #tpu.memory_space<hbm>>) target(%arg5 : memref<200x256xi32, #tpu.memory_space<vmem>>) target_semaphore(%arg8 : memref<!tpu.dma_semaphore, #tpu.memory_space<semaphore_mem>>)
    "tpu.region"() ({
      %run_scoped3A = tpu.sem_alloc : memref<!tpu.dma_semaphore, #tpu.memory_space<semaphore_mem>>
      tpu.enqueue_dma source(%arg3 : memref<16xi32, #tpu.memory_space<hbm>>) target(%arg7 : memref<16xi32, #tpu.memory_space<vmem>>) target_semaphore(%run_scoped3A : memref<!tpu.dma_semaphore, #tpu.memory_space<semaphore_mem>>)
      tpu.wait_dma2 semaphore(%run_scoped3A : memref<!tpu.dma_semaphore, #tpu.memory_space<semaphore_mem>>) src(%arg3 : memref<16xi32, #tpu.memory_space<hbm>>) dst(%arg7 : memref<16xi32, #tpu.memory_space<vmem>>)
      tpu.yield
    }) : () -> ()
    %get3A = arith.constant 0 : index
    %get3A_8 = tpu.vector_load %arg7[%get3A] {strides = array<i32>} : memref<16xi32, #tpu.memory_space<vmem>>, vector<16xi32>,
    %iota3A = tpu.iota {dimensions = array<i32: 0>} : vector<16xi32>
    %eq3A = arith.constant 0 : i32
    %eq3A_9 = vector.broadcast %eq3A : i32 to vector<16xi32>
    %eq3A_10 = arith.cmpi eq, %iota3A, %eq3A_9 : vector<16xi32>
    %jit3A = arith.constant -2147483648 : i32
    %broadcast_in_dim3A = vector.broadcast %jit3A : i32 to vector<16xi32>
    %select_n3A = arith.select %eq3A_10, %get3A_8, %broadcast_in_dim3A : vector<16xi1>, vector<16xi32>
    %reduce_max3A = arith.constant true
    %reduce_max3A_11 = vector.broadcast %reduce_max3A : i1 to vector<16xi1>
    %reduce_max3A_12 = arith.constant -2147483648 : i32
    %reduce_max3A_13 = vector.broadcast %reduce_max3A_12 : i32 to vector<16xi32>
    %reduce_max3A_14 = arith.xori %select_n3A, %reduce_max3A_13 : vector<16xi32>
    %reduce_max3A_15 = tpu.scan <max>, %reduce_max3A_14 masked %reduce_max3A_11 : vector<16xi32>, vector<16xi1> -> vector<16xi32>
    %reduce_max3A_16 = arith.xori %reduce_max3A_15, %reduce_max3A_13 : vector<16xi32>
    %reduce_max3A_17 = vector.extract %reduce_max3A_16[15] : i32 from vector<16xi32>
    %broadcast_in_dim3A_18 = vector.broadcast %reduce_max3A_17 : i32 to vector<16xi32>
    %eq3A_19 = arith.constant 1 : i32
    %eq3A_20 = vector.broadcast %eq3A_19 : i32 to vector<16xi32>
    %eq3A_21 = arith.cmpi eq, %iota3A, %eq3A_20 : vector<16xi32>
    %jit3A_22 = arith.constant -2147483648 : i32
    %broadcast_in_dim3A_23 = vector.broadcast %jit3A_22 : i32 to vector<16xi32>
    %select_n3A_24 = arith.select %eq3A_21, %get3A_8, %broadcast_in_dim3A_23 : vector<16xi1>, vector<16xi32>
    %reduce_max3A_25 = arith.constant true
    %reduce_max3A_26 = vector.broadcast %reduce_max3A_25 : i1 to vector<16xi1>
    %reduce_max3A_27 = arith.constant -2147483648 : i32
    %reduce_max3A_28 = vector.broadcast %reduce_max3A_27 : i32 to vector<16xi32>
    %reduce_max3A_29 = arith.xori %select_n3A_24, %reduce_max3A_28 : vector<16xi32>
    %reduce_max3A_30 = tpu.scan <max>, %reduce_max3A_29 masked %reduce_max3A_26 : vector<16xi32>, vector<16xi1> -> vector<16xi32>
    %reduce_max3A_31 = arith.xori %reduce_max3A_30, %reduce_max3A_28 : vector<16xi32>
    %reduce_max3A_32 = vector.extract %reduce_max3A_31[15] : i32 from vector<16xi32>
    %broadcast_in_dim3A_33 = vector.broadcast %reduce_max3A_32 : i32 to vector<16xi32>
    %eq3A_34 = arith.constant 2 : i32
    %eq3A_35 = vector.broadcast %eq3A_34 : i32 to vector<16xi32>
    %eq3A_36 = arith.cmpi eq, %iota3A, %eq3A_35 : vector<16xi32>
    %jit3A_37 = arith.constant -2147483648 : i32
    %broadcast_in_dim3A_38 = vector.broadcast %jit3A_37 : i32 to vector<16xi32>
    %select_n3A_39 = arith.select %eq3A_36, %get3A_8, %broadcast_in_dim3A_38 : vector<16xi1>, vector<16xi32>
    %reduce_max3A_40 = arith.constant true
    %reduce_max3A_41 = vector.broadcast %reduce_max3A_40 : i1 to vector<16xi1>
    %reduce_max3A_42 = arith.constant -2147483648 : i32
    %reduce_max3A_43 = vector.broadcast %reduce_max3A_42 : i32 to vector<16xi32>
    %reduce_max3A_44 = arith.xori %select_n3A_39, %reduce_max3A_43 : vector<16xi32>
    %reduce_max3A_45 = tpu.scan <max>, %reduce_max3A_44 masked %reduce_max3A_41 : vector<16xi32>, vector<16xi1> -> vector<16xi32>
    %reduce_max3A_46 = arith.xori %reduce_max3A_45, %reduce_max3A_43 : vector<16xi32>
    %reduce_max3A_47 = vector.extract %reduce_max3A_46[15] : i32 from vector<16xi32>
    %broadcast_in_dim3A_48 = vector.broadcast %reduce_max3A_47 : i32 to vector<16xi32>
    %shift_left3A = arith.constant 8 : i32
    %shift_left3A_49 = vector.broadcast %shift_left3A : i32 to vector<16xi32>
    %shift_left3A_50 = arith.shli %broadcast_in_dim3A_33, %shift_left3A_49 : vector<16xi32>
    %or3A = arith.ori %broadcast_in_dim3A_18, %shift_left3A_50 : vector<16xi32>
    %shift_left3A_51 = arith.constant 16 : i32
    %shift_left3A_52 = vector.broadcast %shift_left3A_51 : i32 to vector<16xi32>
    %shift_left3A_53 = arith.shli %broadcast_in_dim3A_48, %shift_left3A_52 : vector<16xi32>
    %or3A_54 = arith.ori %or3A, %shift_left3A_53 : vector<16xi32>
    %broadcast_in_dim3A_55 = arith.constant 255 : i32
    %broadcast_in_dim3A_56 = vector.broadcast %broadcast_in_dim3A_55 : i32 to vector<16xi32>
    %broadcast_in_dim3A_57 = arith.constant 3 : i32
    %broadcast_in_dim3A_58 = vector.broadcast %broadcast_in_dim3A_57 : i32 to vector<16xi32>
    %add3A_59 = arith.constant 256 : i32
    %add3A_60 = arith.addi %mul3A_2, %add3A_59 : i32
    %dma_start3A_61 = arith.constant 0 : i32
    %dma_start3A_62 = tpu.memref_slice %arg2[%dma_start3A_61, %add3A_60] : memref<200x16384xi32, #tpu.memory_space<hbm>> -> memref<200x256xi32, #tpu.memory_space<hbm>>
    %dma_start3A_63 = arith.constant 0 : i32
    %dma_start3A_64 = tpu.memref_slice %arg2[%dma_start3A_63, %add3A_60] : memref<200x16384xi32, #tpu.memory_space<hbm>> -> memref<200x256xi32, #tpu.memory_space<hbm>>
    tpu.enqueue_dma source(%dma_start3A_64 : memref<200x256xi32, #tpu.memory_space<hbm>>) target(%arg6 : memref<200x256xi32, #tpu.memory_space<vmem>>) target_semaphore(%arg9 : memref<!tpu.dma_semaphore, #tpu.memory_space<semaphore_mem>>)
    %dma_wait3A = arith.constant 0 : i32
    %dma_wait3A_65 = tpu.memref_slice %arg2[%dma_wait3A, %add3A_4] : memref<200x16384xi32, #tpu.memory_space<hbm>> -> memref<200x256xi32, #tpu.memory_space<hbm>>
    %dma_wait3A_66 = arith.constant 0 : i32
    %dma_wait3A_67 = tpu.memref_slice %arg2[%dma_wait3A_66, %add3A_4] : memref<200x16384xi32, #tpu.memory_space<hbm>> -> memref<200x256xi32, #tpu.memory_space<hbm>>
    tpu.wait_dma2 semaphore(%arg8 : memref<!tpu.dma_semaphore, #tpu.memory_space<semaphore_mem>>) src(%dma_wait3A_67 : memref<200x256xi32, #tpu.memory_space<hbm>>) dst(%arg5 : memref<200x256xi32, #tpu.memory_space<vmem>>)
    %parallel_loop3A = arith.constant 0 : i32
    %parallel_loop3A_68 = arith.constant 200 : i32
    %parallel_loop3A_69 = arith.constant 1 : i32
    scf.for %parallel_loop3A_97 = %parallel_loop3A to %parallel_loop3A_68 step %parallel_loop3A_69  : i32 {
      %parallel_loop3A_98 = arith.index_cast %parallel_loop3A_97 : i32 to index
      %parallel_loop3A_99 = arith.constant 0 : index
      %parallel_loop3A_100 = tpu.vector_load %arg5[%parallel_loop3A_98, %parallel_loop3A_99] {strides = array<i32>} : memref<200x256xi32, #tpu.memory_space<vmem>>, vector<16xi32>,
      %parallel_loop3A_101 = arith.shli %parallel_loop3A_100, %broadcast_in_dim3A_58 : vector<16xi32>
      %parallel_loop3A_102 = arith.shrsi %or3A_54, %parallel_loop3A_101 : vector<16xi32>
      %parallel_loop3A_103 = arith.andi %parallel_loop3A_102, %broadcast_in_dim3A_56 : vector<16xi32>
      %parallel_loop3A_104 = arith.index_cast %parallel_loop3A_97 : i32 to index
      %parallel_loop3A_105 = arith.constant 0 : index
      %parallel_loop3A_106 = tpu.vector_load %arg5[%parallel_loop3A_104, %parallel_loop3A_105] {strides = array<i32>} : memref<200x256xi32, #tpu.memory_space<vmem>>, vector<16xi32>,
      tpu.vector_store %arg5[%parallel_loop3A_104, %parallel_loop3A_105], %parallel_loop3A_103 {strides = array<i32>} : memref<200x256xi32, #tpu.memory_space<vmem>>, vector<16xi32>,
      %parallel_loop3A_107 = arith.index_cast %parallel_loop3A_97 : i32 to index
      %parallel_loop3A_108 = arith.constant 16 : index
      %parallel_loop3A_109 = tpu.vector_load %arg5[%parallel_loop3A_107, %parallel_loop3A_108] {strides = array<i32>} : memref<200x256xi32, #tpu.memory_space<vmem>>, vector<16xi32>,
      %parallel_loop3A_110 = arith.shli %parallel_loop3A_109, %broadcast_in_dim3A_58 : vector<16xi32>
      %parallel_loop3A_111 = arith.shrsi %or3A_54, %parallel_loop3A_110 : vector<16xi32>
      %parallel_loop3A_112 = arith.andi %parallel_loop3A_111, %broadcast_in_dim3A_56 : vector<16xi32>
      %parallel_loop3A_113 = arith.index_cast %parallel_loop3A_97 : i32 to index
      %parallel_loop3A_114 = arith.constant 16 : index
      %parallel_loop3A_115 = tpu.vector_load %arg5[%parallel_loop3A_113, %parallel_loop3A_114] {strides = array<i32>} : memref<200x256xi32, #tpu.memory_space<vmem>>, vector<16xi32>,
      tpu.vector_store %arg5[%parallel_loop3A_113, %parallel_loop3A_114], %parallel_loop3A_112 {strides = array<i32>} : memref<200x256xi32, #tpu.memory_space<vmem>>, vector<16xi32>,
      %parallel_loop3A_116 = arith.index_cast %parallel_loop3A_97 : i32 to index
      %parallel_loop3A_117 = arith.constant 32 : index
      %parallel_loop3A_118 = tpu.vector_load %arg5[%parallel_loop3A_116, %parallel_loop3A_117] {strides = array<i32>} : memref<200x256xi32, #tpu.memory_space<vmem>>, vector<16xi32>,
      %parallel_loop3A_119 = arith.shli %parallel_loop3A_118, %broadcast_in_dim3A_58 : vector<16xi32>
      %parallel_loop3A_120 = arith.shrsi %or3A_54, %parallel_loop3A_119 : vector<16xi32>
      %parallel_loop3A_121 = arith.andi %parallel_loop3A_120, %broadcast_in_dim3A_56 : vector<16xi32>
      %parallel_loop3A_122 = arith.index_cast %parallel_loop3A_97 : i32 to index
      %parallel_loop3A_123 = arith.constant 32 : index
      %parallel_loop3A_124 = tpu.vector_load %arg5[%parallel_loop3A_122, %parallel_loop3A_123] {strides = array<i32>} : memref<200x256xi32, #tpu.memory_space<vmem>>, vector<16xi32>,
      tpu.vector_store %arg5[%parallel_loop3A_122, %parallel_loop3A_123], %parallel_loop3A_121 {strides = array<i32>} : memref<200x256xi32, #tpu.memory_space<vmem>>, vector<16xi32>,
      %parallel_loop3A_125 = arith.index_cast %parallel_loop3A_97 : i32 to index
      %parallel_loop3A_126 = arith.constant 48 : index
      %parallel_loop3A_127 = tpu.vector_load %arg5[%parallel_loop3A_125, %parallel_loop3A_126] {strides = array<i32>} : memref<200x256xi32, #tpu.memory_space<vmem>>, vector<16xi32>,
      %parallel_loop3A_128 = arith.shli %parallel_loop3A_127, %broadcast_in_dim3A_58 : vector<16xi32>
      %parallel_loop3A_129 = arith.shrsi %or3A_54, %parallel_loop3A_128 : vector<16xi32>
      %parallel_loop3A_130 = arith.andi %parallel_loop3A_129, %broadcast_in_dim3A_56 : vector<16xi32>
      %parallel_loop3A_131 = arith.index_cast %parallel_loop3A_97 : i32 to index
      %parallel_loop3A_132 = arith.constant 48 : index
      %parallel_loop3A_133 = tpu.vector_load %arg5[%parallel_loop3A_131, %parallel_loop3A_132] {strides = array<i32>} : memref<200x256xi32, #tpu.memory_space<vmem>>, vector<16xi32>,
      tpu.vector_store %arg5[%parallel_loop3A_131, %parallel_loop3A_132], %parallel_loop3A_130 {strides = array<i32>} : memref<200x256xi32, #tpu.memory_space<vmem>>, vector<16xi32>,
      %parallel_loop3A_134 = arith.index_cast %parallel_loop3A_97 : i32 to index
      %parallel_loop3A_135 = arith.constant 64 : index
      %parallel_loop3A_136 = tpu.vector_load %arg5[%parallel_loop3A_134, %parallel_loop3A_135] {strides = array<i32>} : memref<200x256xi32, #tpu.memory_space<vmem>>, vector<16xi32>,
      %parallel_loop3A_137 = arith.shli %parallel_loop3A_136, %broadcast_in_dim3A_58 : vector<16xi32>
      %parallel_loop3A_138 = arith.shrsi %or3A_54, %parallel_loop3A_137 : vector<16xi32>
      %parallel_loop3A_139 = arith.andi %parallel_loop3A_138, %broadcast_in_dim3A_56 : vector<16xi32>
      %parallel_loop3A_140 = arith.index_cast %parallel_loop3A_97 : i32 to index
      %parallel_loop3A_141 = arith.constant 64 : index
      %parallel_loop3A_142 = tpu.vector_load %arg5[%parallel_loop3A_140, %parallel_loop3A_141] {strides = array<i32>} : memref<200x256xi32, #tpu.memory_space<vmem>>, vector<16xi32>,
      tpu.vector_store %arg5[%parallel_loop3A_140, %parallel_loop3A_141], %parallel_loop3A_139 {strides = array<i32>} : memref<200x256xi32, #tpu.memory_space<vmem>>, vector<16xi32>,
      %parallel_loop3A_143 = arith.index_cast %parallel_loop3A_97 : i32 to index
      %parallel_loop3A_144 = arith.constant 80 : index
      %parallel_loop3A_145 = tpu.vector_load %arg5[%parallel_loop3A_143, %parallel_loop3A_144] {strides = array<i32>} : memref<200x256xi32, #tpu.memory_space<vmem>>, vector<16xi32>,
      %parallel_loop3A_146 = arith.shli %parallel_loop3A_145, %broadcast_in_dim3A_58 : vector<16xi32>
      %parallel_loop3A_147 = arith.shrsi %or3A_54, %parallel_loop3A_146 : vector<16xi32>
      %parallel_loop3A_148 = arith.andi %parallel_loop3A_147, %broadcast_in_dim3A_56 : vector<16xi32>
      %parallel_loop3A_149 = arith.index_cast %parallel_loop3A_97 : i32 to index
      %parallel_loop3A_150 = arith.constant 80 : index
      %parallel_loop3A_151 = tpu.vector_load %arg5[%parallel_loop3A_149, %parallel_loop3A_150] {strides = array<i32>} : memref<200x256xi32, #tpu.memory_space<vmem>>, vector<16xi32>,
      tpu.vector_store %arg5[%parallel_loop3A_149, %parallel_loop3A_150], %parallel_loop3A_148 {strides = array<i32>} : memref<200x256xi32, #tpu.memory_space<vmem>>, vector<16xi32>,
      %parallel_loop3A_152 = arith.index_cast %parallel_loop3A_97 : i32 to index
      %parallel_loop3A_153 = arith.constant 96 : index
      %parallel_loop3A_154 = tpu.vector_load %arg5[%parallel_loop3A_152, %parallel_loop3A_153] {strides = array<i32>} : memref<200x256xi32, #tpu.memory_space<vmem>>, vector<16xi32>,
      %parallel_loop3A_155 = arith.shli %parallel_loop3A_154, %broadcast_in_dim3A_58 : vector<16xi32>
      %parallel_loop3A_156 = arith.shrsi %or3A_54, %parallel_loop3A_155 : vector<16xi32>
      %parallel_loop3A_157 = arith.andi %parallel_loop3A_156, %broadcast_in_dim3A_56 : vector<16xi32>
      %parallel_loop3A_158 = arith.index_cast %parallel_loop3A_97 : i32 to index
      %parallel_loop3A_159 = arith.constant 96 : index
      %parallel_loop3A_160 = tpu.vector_load %arg5[%parallel_loop3A_158, %parallel_loop3A_159] {strides = array<i32>} : memref<200x256xi32, #tpu.memory_space<vmem>>, vector<16xi32>,
      tpu.vector_store %arg5[%parallel_loop3A_158, %parallel_loop3A_159], %parallel_loop3A_157 {strides = array<i32>} : memref<200x256xi32, #tpu.memory_space<vmem>>, vector<16xi32>,
      %parallel_loop3A_161 = arith.index_cast %parallel_loop3A_97 : i32 to index
      %parallel_loop3A_162 = arith.constant 112 : index
      %parallel_loop3A_163 = tpu.vector_load %arg5[%parallel_loop3A_161, %parallel_loop3A_162] {strides = array<i32>} : memref<200x256xi32, #tpu.memory_space<vmem>>, vector<16xi32>,
      %parallel_loop3A_164 = arith.shli %parallel_loop3A_163, %broadcast_in_dim3A_58 : vector<16xi32>
      %parallel_loop3A_165 = arith.shrsi %or3A_54, %parallel_loop3A_164 : vector<16xi32>
      %parallel_loop3A_166 = arith.andi %parallel_loop3A_165, %broadcast_in_dim3A_56 : vector<16xi32>
      %parallel_loop3A_167 = arith.index_cast %parallel_loop3A_97 : i32 to index
      %parallel_loop3A_168 = arith.constant 112 : index
      %parallel_loop3A_169 = tpu.vector_load %arg5[%parallel_loop3A_167, %parallel_loop3A_168] {strides = array<i32>} : memref<200x256xi32, #tpu.memory_space<vmem>>, vector<16xi32>,
      tpu.vector_store %arg5[%parallel_loop3A_167, %parallel_loop3A_168], %parallel_loop3A_166 {strides = array<i32>} : memref<200x256xi32, #tpu.memory_space<vmem>>, vector<16xi32>,
      %parallel_loop3A_170 = arith.index_cast %parallel_loop3A_97 : i32 to index
      %parallel_loop3A_171 = arith.constant 128 : index
      %parallel_loop3A_172 = tpu.vector_load %arg5[%parallel_loop3A_170, %parallel_loop3A_171] {strides = array<i32>} : memref<200x256xi32, #tpu.memory_space<vmem>>, vector<16xi32>,
      %parallel_loop3A_173 = arith.shli %parallel_loop3A_172, %broadcast_in_dim3A_58 : vector<16xi32>
      %parallel_loop3A_174 = arith.shrsi %or3A_54, %parallel_loop3A_173 : vector<16xi32>
      %parallel_loop3A_175 = arith.andi %parallel_loop3A_174, %broadcast_in_dim3A_56 : vector<16xi32>
      %parallel_loop3A_176 = arith.index_cast %parallel_loop3A_97 : i32 to index
      %parallel_loop3A_177 = arith.constant 128 : index
      %parallel_loop3A_178 = tpu.vector_load %arg5[%parallel_loop3A_176, %parallel_loop3A_177] {strides = array<i32>} : memref<200x256xi32, #tpu.memory_space<vmem>>, vector<16xi32>,
      tpu.vector_store %arg5[%parallel_loop3A_176, %parallel_loop3A_177], %parallel_loop3A_175 {strides = array<i32>} : memref<200x256xi32, #tpu.memory_space<vmem>>, vector<16xi32>,
      %parallel_loop3A_179 = arith.index_cast %parallel_loop3A_97 : i32 to index
      %parallel_loop3A_180 = arith.constant 144 : index
      %parallel_loop3A_181 = tpu.vector_load %arg5[%parallel_loop3A_179, %parallel_loop3A_180] {strides = array<i32>} : memref<200x256xi32, #tpu.memory_space<vmem>>, vector<16xi32>,
      %parallel_loop3A_182 = arith.shli %parallel_loop3A_181, %broadcast_in_dim3A_58 : vector<16xi32>
      %parallel_loop3A_183 = arith.shrsi %or3A_54, %parallel_loop3A_182 : vector<16xi32>
      %parallel_loop3A_184 = arith.andi %parallel_loop3A_183, %broadcast_in_dim3A_56 : vector<16xi32>
      %parallel_loop3A_185 = arith.index_cast %parallel_loop3A_97 : i32 to index
      %parallel_loop3A_186 = arith.constant 144 : index
      %parallel_loop3A_187 = tpu.vector_load %arg5[%parallel_loop3A_185, %parallel_loop3A_186] {strides = array<i32>} : memref<200x256xi32, #tpu.memory_space<vmem>>, vector<16xi32>,
      tpu.vector_store %arg5[%parallel_loop3A_185, %parallel_loop3A_186], %parallel_loop3A_184 {strides = array<i32>} : memref<200x256xi32, #tpu.memory_space<vmem>>, vector<16xi32>,
      %parallel_loop3A_188 = arith.index_cast %parallel_loop3A_97 : i32 to index
      %parallel_loop3A_189 = arith.constant 160 : index
      %parallel_loop3A_190 = tpu.vector_load %arg5[%parallel_loop3A_188, %parallel_loop3A_189] {strides = array<i32>} : memref<200x256xi32, #tpu.memory_space<vmem>>, vector<16xi32>,
      %parallel_loop3A_191 = arith.shli %parallel_loop3A_190, %broadcast_in_dim3A_58 : vector<16xi32>
      %parallel_loop3A_192 = arith.shrsi %or3A_54, %parallel_loop3A_191 : vector<16xi32>
      %parallel_loop3A_193 = arith.andi %parallel_loop3A_192, %broadcast_in_dim3A_56 : vector<16xi32>
      %parallel_loop3A_194 = arith.index_cast %parallel_loop3A_97 : i32 to index
      %parallel_loop3A_195 = arith.constant 160 : index
      %parallel_loop3A_196 = tpu.vector_load %arg5[%parallel_loop3A_194, %parallel_loop3A_195] {strides = array<i32>} : memref<200x256xi32, #tpu.memory_space<vmem>>, vector<16xi32>,
      tpu.vector_store %arg5[%parallel_loop3A_194, %parallel_loop3A_195], %parallel_loop3A_193 {strides = array<i32>} : memref<200x256xi32, #tpu.memory_space<vmem>>, vector<16xi32>,
      %parallel_loop3A_197 = arith.index_cast %parallel_loop3A_97 : i32 to index
      %parallel_loop3A_198 = arith.constant 176 : index
      %parallel_loop3A_199 = tpu.vector_load %arg5[%parallel_loop3A_197, %parallel_loop3A_198] {strides = array<i32>} : memref<200x256xi32, #tpu.memory_space<vmem>>, vector<16xi32>,
      %parallel_loop3A_200 = arith.shli %parallel_loop3A_199, %broadcast_in_dim3A_58 : vector<16xi32>
      %parallel_loop3A_201 = arith.shrsi %or3A_54, %parallel_loop3A_200 : vector<16xi32>
      %parallel_loop3A_202 = arith.andi %parallel_loop3A_201, %broadcast_in_dim3A_56 : vector<16xi32>
      %parallel_loop3A_203 = arith.index_cast %parallel_loop3A_97 : i32 to index
      %parallel_loop3A_204 = arith.constant 176 : index
      %parallel_loop3A_205 = tpu.vector_load %arg5[%parallel_loop3A_203, %parallel_loop3A_204] {strides = array<i32>} : memref<200x256xi32, #tpu.memory_space<vmem>>, vector<16xi32>,
      tpu.vector_store %arg5[%parallel_loop3A_203, %parallel_loop3A_204], %parallel_loop3A_202 {strides = array<i32>} : memref<200x256xi32, #tpu.memory_space<vmem>>, vector<16xi32>,
      %parallel_loop3A_206 = arith.index_cast %parallel_loop3A_97 : i32 to index
      %parallel_loop3A_207 = arith.constant 192 : index
      %parallel_loop3A_208 = tpu.vector_load %arg5[%parallel_loop3A_206, %parallel_loop3A_207] {strides = array<i32>} : memref<200x256xi32, #tpu.memory_space<vmem>>, vector<16xi32>,
      %parallel_loop3A_209 = arith.shli %parallel_loop3A_208, %broadcast_in_dim3A_58 : vector<16xi32>
      %parallel_loop3A_210 = arith.shrsi %or3A_54, %parallel_loop3A_209 : vector<16xi32>
      %parallel_loop3A_211 = arith.andi %parallel_loop3A_210, %broadcast_in_dim3A_56 : vector<16xi32>
      %parallel_loop3A_212 = arith.index_cast %parallel_loop3A_97 : i32 to index
      %parallel_loop3A_213 = arith.constant 192 : index
      %parallel_loop3A_214 = tpu.vector_load %arg5[%parallel_loop3A_212, %parallel_loop3A_213] {strides = array<i32>} : memref<200x256xi32, #tpu.memory_space<vmem>>, vector<16xi32>,
      tpu.vector_store %arg5[%parallel_loop3A_212, %parallel_loop3A_213], %parallel_loop3A_211 {strides = array<i32>} : memref<200x256xi32, #tpu.memory_space<vmem>>, vector<16xi32>,
      %parallel_loop3A_215 = arith.index_cast %parallel_loop3A_97 : i32 to index
      %parallel_loop3A_216 = arith.constant 208 : index
      %parallel_loop3A_217 = tpu.vector_load %arg5[%parallel_loop3A_215, %parallel_loop3A_216] {strides = array<i32>} : memref<200x256xi32, #tpu.memory_space<vmem>>, vector<16xi32>,
      %parallel_loop3A_218 = arith.shli %parallel_loop3A_217, %broadcast_in_dim3A_58 : vector<16xi32>
      %parallel_loop3A_219 = arith.shrsi %or3A_54, %parallel_loop3A_218 : vector<16xi32>
      %parallel_loop3A_220 = arith.andi %parallel_loop3A_219, %broadcast_in_dim3A_56 : vector<16xi32>
      %parallel_loop3A_221 = arith.index_cast %parallel_loop3A_97 : i32 to index
      %parallel_loop3A_222 = arith.constant 208 : index
      %parallel_loop3A_223 = tpu.vector_load %arg5[%parallel_loop3A_221, %parallel_loop3A_222] {strides = array<i32>} : memref<200x256xi32, #tpu.memory_space<vmem>>, vector<16xi32>,
      tpu.vector_store %arg5[%parallel_loop3A_221, %parallel_loop3A_222], %parallel_loop3A_220 {strides = array<i32>} : memref<200x256xi32, #tpu.memory_space<vmem>>, vector<16xi32>,
      %parallel_loop3A_224 = arith.index_cast %parallel_loop3A_97 : i32 to index
      %parallel_loop3A_225 = arith.constant 224 : index
      %parallel_loop3A_226 = tpu.vector_load %arg5[%parallel_loop3A_224, %parallel_loop3A_225] {strides = array<i32>} : memref<200x256xi32, #tpu.memory_space<vmem>>, vector<16xi32>,
      %parallel_loop3A_227 = arith.shli %parallel_loop3A_226, %broadcast_in_dim3A_58 : vector<16xi32>
      %parallel_loop3A_228 = arith.shrsi %or3A_54, %parallel_loop3A_227 : vector<16xi32>
      %parallel_loop3A_229 = arith.andi %parallel_loop3A_228, %broadcast_in_dim3A_56 : vector<16xi32>
      %parallel_loop3A_230 = arith.index_cast %parallel_loop3A_97 : i32 to index
      %parallel_loop3A_231 = arith.constant 224 : index
      %parallel_loop3A_232 = tpu.vector_load %arg5[%parallel_loop3A_230, %parallel_loop3A_231] {strides = array<i32>} : memref<200x256xi32, #tpu.memory_space<vmem>>, vector<16xi32>,
      tpu.vector_store %arg5[%parallel_loop3A_230, %parallel_loop3A_231], %parallel_loop3A_229 {strides = array<i32>} : memref<200x256xi32, #tpu.memory_space<vmem>>, vector<16xi32>,
      %parallel_loop3A_233 = arith.index_cast %parallel_loop3A_97 : i32 to index
      %parallel_loop3A_234 = arith.constant 240 : index
      %parallel_loop3A_235 = tpu.vector_load %arg5[%parallel_loop3A_233, %parallel_loop3A_234] {strides = array<i32>} : memref<200x256xi32, #tpu.memory_space<vmem>>, vector<16xi32>,
      %parallel_loop3A_236 = arith.shli %parallel_loop3A_235, %broadcast_in_dim3A_58 : vector<16xi32>
      %parallel_loop3A_237 = arith.shrsi %or3A_54, %parallel_loop3A_236 : vector<16xi32>
      %parallel_loop3A_238 = arith.andi %parallel_loop3A_237, %broadcast_in_dim3A_56 : vector<16xi32>
      %parallel_loop3A_239 = arith.index_cast %parallel_loop3A_97 : i32 to index
      %parallel_loop3A_240 = arith.constant 240 : index
      %parallel_loop3A_241 = tpu.vector_load %arg5[%parallel_loop3A_239, %parallel_loop3A_240] {strides = array<i32>} : memref<200x256xi32, #tpu.memory_space<vmem>>, vector<16xi32>,
      tpu.vector_store %arg5[%parallel_loop3A_239, %parallel_loop3A_240], %parallel_loop3A_238 {strides = array<i32>} : memref<200x256xi32, #tpu.memory_space<vmem>>, vector<16xi32>,
    } {sc.loop_unroll_factor = 2 : i64, sc.parallel_access}
    %add3A_70 = arith.constant 0 : i32
    %add3A_71 = arith.addi %mul3A_2, %add3A_70 : i32
    %dma_start3A_72 = arith.constant 0 : i32
    %dma_start3A_73 = tpu.memref_slice %arg4[%dma_start3A_72, %add3A_71] : memref<200x16384xi32, #tpu.memory_space<hbm>> -> memref<200x256xi32, #tpu.memory_space<hbm>>
    %dma_start3A_74 = arith.constant 0 : i32
    %dma_start3A_75 = tpu.memref_slice %arg4[%dma_start3A_74, %add3A_71] : memref<200x16384xi32, #tpu.memory_space<hbm>> -> memref<200x256xi32, #tpu.memory_space<hbm>>
    tpu.enqueue_dma source(%arg5 : memref<200x256xi32, #tpu.memory_space<vmem>>) target(%dma_start3A_75 : memref<200x256xi32, #tpu.memory_space<hbm>>) target_semaphore(%arg10 : memref<!tpu.dma_semaphore, #tpu.memory_space<semaphore_mem>>)
    %dma_wait3A_76 = arith.constant 0 : i32
    %dma_wait3A_77 = tpu.memref_slice %arg2[%dma_wait3A_76, %add3A_60] : memref<200x16384xi32, #tpu.memory_space<hbm>> -> memref<200x256xi32, #tpu.memory_space<hbm>>
    %dma_wait3A_78 = arith.constant 0 : i32
    %dma_wait3A_79 = tpu.memref_slice %arg2[%dma_wait3A_78, %add3A_60] : memref<200x16384xi32, #tpu.memory_space<hbm>> -> memref<200x256xi32, #tpu.memory_space<hbm>>
    tpu.wait_dma2 semaphore(%arg9 : memref<!tpu.dma_semaphore, #tpu.memory_space<semaphore_mem>>) src(%dma_wait3A_79 : memref<200x256xi32, #tpu.memory_space<hbm>>) dst(%arg6 : memref<200x256xi32, #tpu.memory_space<vmem>>)
    %parallel_loop3A_80 = arith.constant 0 : i32
    %parallel_loop3A_81 = arith.constant 200 : i32
    %parallel_loop3A_82 = arith.constant 1 : i32
    scf.for %parallel_loop3A_97 = %parallel_loop3A_80 to %parallel_loop3A_81 step %parallel_loop3A_82  : i32 {
      %parallel_loop3A_98 = arith.index_cast %parallel_loop3A_97 : i32 to index
      %parallel_loop3A_99 = arith.constant 0 : index
      %parallel_loop3A_100 = tpu.vector_load %arg6[%parallel_loop3A_98, %parallel_loop3A_99] {strides = array<i32>} : memref<200x256xi32, #tpu.memory_space<vmem>>, vector<16xi32>,
      %parallel_loop3A_101 = arith.shli %parallel_loop3A_100, %broadcast_in_dim3A_58 : vector<16xi32>
      %parallel_loop3A_102 = arith.shrsi %or3A_54, %parallel_loop3A_101 : vector<16xi32>
      %parallel_loop3A_103 = arith.andi %parallel_loop3A_102, %broadcast_in_dim3A_56 : vector<16xi32>
      %parallel_loop3A_104 = arith.index_cast %parallel_loop3A_97 : i32 to index
      %parallel_loop3A_105 = arith.constant 0 : index
      %parallel_loop3A_106 = tpu.vector_load %arg6[%parallel_loop3A_104, %parallel_loop3A_105] {strides = array<i32>} : memref<200x256xi32, #tpu.memory_space<vmem>>, vector<16xi32>,
      tpu.vector_store %arg6[%parallel_loop3A_104, %parallel_loop3A_105], %parallel_loop3A_103 {strides = array<i32>} : memref<200x256xi32, #tpu.memory_space<vmem>>, vector<16xi32>,
      %parallel_loop3A_107 = arith.index_cast %parallel_loop3A_97 : i32 to index
      %parallel_loop3A_108 = arith.constant 16 : index
      %parallel_loop3A_109 = tpu.vector_load %arg6[%parallel_loop3A_107, %parallel_loop3A_108] {strides = array<i32>} : memref<200x256xi32, #tpu.memory_space<vmem>>, vector<16xi32>,
      %parallel_loop3A_110 = arith.shli %parallel_loop3A_109, %broadcast_in_dim3A_58 : vector<16xi32>
      %parallel_loop3A_111 = arith.shrsi %or3A_54, %parallel_loop3A_110 : vector<16xi32>
      %parallel_loop3A_112 = arith.andi %parallel_loop3A_111, %broadcast_in_dim3A_56 : vector<16xi32>
      %parallel_loop3A_113 = arith.index_cast %parallel_loop3A_97 : i32 to index
      %parallel_loop3A_114 = arith.constant 16 : index
      %parallel_loop3A_115 = tpu.vector_load %arg6[%parallel_loop3A_113, %parallel_loop3A_114] {strides = array<i32>} : memref<200x256xi32, #tpu.memory_space<vmem>>, vector<16xi32>,
      tpu.vector_store %arg6[%parallel_loop3A_113, %parallel_loop3A_114], %parallel_loop3A_112 {strides = array<i32>} : memref<200x256xi32, #tpu.memory_space<vmem>>, vector<16xi32>,
      %parallel_loop3A_116 = arith.index_cast %parallel_loop3A_97 : i32 to index
      %parallel_loop3A_117 = arith.constant 32 : index
      %parallel_loop3A_118 = tpu.vector_load %arg6[%parallel_loop3A_116, %parallel_loop3A_117] {strides = array<i32>} : memref<200x256xi32, #tpu.memory_space<vmem>>, vector<16xi32>,
      %parallel_loop3A_119 = arith.shli %parallel_loop3A_118, %broadcast_in_dim3A_58 : vector<16xi32>
      %parallel_loop3A_120 = arith.shrsi %or3A_54, %parallel_loop3A_119 : vector<16xi32>
      %parallel_loop3A_121 = arith.andi %parallel_loop3A_120, %broadcast_in_dim3A_56 : vector<16xi32>
      %parallel_loop3A_122 = arith.index_cast %parallel_loop3A_97 : i32 to index
      %parallel_loop3A_123 = arith.constant 32 : index
      %parallel_loop3A_124 = tpu.vector_load %arg6[%parallel_loop3A_122, %parallel_loop3A_123] {strides = array<i32>} : memref<200x256xi32, #tpu.memory_space<vmem>>, vector<16xi32>,
      tpu.vector_store %arg6[%parallel_loop3A_122, %parallel_loop3A_123], %parallel_loop3A_121 {strides = array<i32>} : memref<200x256xi32, #tpu.memory_space<vmem>>, vector<16xi32>,
      %parallel_loop3A_125 = arith.index_cast %parallel_loop3A_97 : i32 to index
      %parallel_loop3A_126 = arith.constant 48 : index
      %parallel_loop3A_127 = tpu.vector_load %arg6[%parallel_loop3A_125, %parallel_loop3A_126] {strides = array<i32>} : memref<200x256xi32, #tpu.memory_space<vmem>>, vector<16xi32>,
      %parallel_loop3A_128 = arith.shli %parallel_loop3A_127, %broadcast_in_dim3A_58 : vector<16xi32>
      %parallel_loop3A_129 = arith.shrsi %or3A_54, %parallel_loop3A_128 : vector<16xi32>
      %parallel_loop3A_130 = arith.andi %parallel_loop3A_129, %broadcast_in_dim3A_56 : vector<16xi32>
      %parallel_loop3A_131 = arith.index_cast %parallel_loop3A_97 : i32 to index
      %parallel_loop3A_132 = arith.constant 48 : index
      %parallel_loop3A_133 = tpu.vector_load %arg6[%parallel_loop3A_131, %parallel_loop3A_132] {strides = array<i32>} : memref<200x256xi32, #tpu.memory_space<vmem>>, vector<16xi32>,
      tpu.vector_store %arg6[%parallel_loop3A_131, %parallel_loop3A_132], %parallel_loop3A_130 {strides = array<i32>} : memref<200x256xi32, #tpu.memory_space<vmem>>, vector<16xi32>,
      %parallel_loop3A_134 = arith.index_cast %parallel_loop3A_97 : i32 to index
      %parallel_loop3A_135 = arith.constant 64 : index
      %parallel_loop3A_136 = tpu.vector_load %arg6[%parallel_loop3A_134, %parallel_loop3A_135] {strides = array<i32>} : memref<200x256xi32, #tpu.memory_space<vmem>>, vector<16xi32>,
      %parallel_loop3A_137 = arith.shli %parallel_loop3A_136, %broadcast_in_dim3A_58 : vector<16xi32>
      %parallel_loop3A_138 = arith.shrsi %or3A_54, %parallel_loop3A_137 : vector<16xi32>
      %parallel_loop3A_139 = arith.andi %parallel_loop3A_138, %broadcast_in_dim3A_56 : vector<16xi32>
      %parallel_loop3A_140 = arith.index_cast %parallel_loop3A_97 : i32 to index
      %parallel_loop3A_141 = arith.constant 64 : index
      %parallel_loop3A_142 = tpu.vector_load %arg6[%parallel_loop3A_140, %parallel_loop3A_141] {strides = array<i32>} : memref<200x256xi32, #tpu.memory_space<vmem>>, vector<16xi32>,
      tpu.vector_store %arg6[%parallel_loop3A_140, %parallel_loop3A_141], %parallel_loop3A_139 {strides = array<i32>} : memref<200x256xi32, #tpu.memory_space<vmem>>, vector<16xi32>,
      %parallel_loop3A_143 = arith.index_cast %parallel_loop3A_97 : i32 to index
      %parallel_loop3A_144 = arith.constant 80 : index
      %parallel_loop3A_145 = tpu.vector_load %arg6[%parallel_loop3A_143, %parallel_loop3A_144] {strides = array<i32>} : memref<200x256xi32, #tpu.memory_space<vmem>>, vector<16xi32>,
      %parallel_loop3A_146 = arith.shli %parallel_loop3A_145, %broadcast_in_dim3A_58 : vector<16xi32>
      %parallel_loop3A_147 = arith.shrsi %or3A_54, %parallel_loop3A_146 : vector<16xi32>
      %parallel_loop3A_148 = arith.andi %parallel_loop3A_147, %broadcast_in_dim3A_56 : vector<16xi32>
      %parallel_loop3A_149 = arith.index_cast %parallel_loop3A_97 : i32 to index
      %parallel_loop3A_150 = arith.constant 80 : index
      %parallel_loop3A_151 = tpu.vector_load %arg6[%parallel_loop3A_149, %parallel_loop3A_150] {strides = array<i32>} : memref<200x256xi32, #tpu.memory_space<vmem>>, vector<16xi32>,
      tpu.vector_store %arg6[%parallel_loop3A_149, %parallel_loop3A_150], %parallel_loop3A_148 {strides = array<i32>} : memref<200x256xi32, #tpu.memory_space<vmem>>, vector<16xi32>,
      %parallel_loop3A_152 = arith.index_cast %parallel_loop3A_97 : i32 to index
      %parallel_loop3A_153 = arith.constant 96 : index
      %parallel_loop3A_154 = tpu.vector_load %arg6[%parallel_loop3A_152, %parallel_loop3A_153] {strides = array<i32>} : memref<200x256xi32, #tpu.memory_space<vmem>>, vector<16xi32>,
      %parallel_loop3A_155 = arith.shli %parallel_loop3A_154, %broadcast_in_dim3A_58 : vector<16xi32>
      %parallel_loop3A_156 = arith.shrsi %or3A_54, %parallel_loop3A_155 : vector<16xi32>
      %parallel_loop3A_157 = arith.andi %parallel_loop3A_156, %broadcast_in_dim3A_56 : vector<16xi32>
      %parallel_loop3A_158 = arith.index_cast %parallel_loop3A_97 : i32 to index
      %parallel_loop3A_159 = arith.constant 96 : index
      %parallel_loop3A_160 = tpu.vector_load %arg6[%parallel_loop3A_158, %parallel_loop3A_159] {strides = array<i32>} : memref<200x256xi32, #tpu.memory_space<vmem>>, vector<16xi32>,
      tpu.vector_store %arg6[%parallel_loop3A_158, %parallel_loop3A_159], %parallel_loop3A_157 {strides = array<i32>} : memref<200x256xi32, #tpu.memory_space<vmem>>, vector<16xi32>,
      %parallel_loop3A_161 = arith.index_cast %parallel_loop3A_97 : i32 to index
      %parallel_loop3A_162 = arith.constant 112 : index
      %parallel_loop3A_163 = tpu.vector_load %arg6[%parallel_loop3A_161, %parallel_loop3A_162] {strides = array<i32>} : memref<200x256xi32, #tpu.memory_space<vmem>>, vector<16xi32>,
      %parallel_loop3A_164 = arith.shli %parallel_loop3A_163, %broadcast_in_dim3A_58 : vector<16xi32>
      %parallel_loop3A_165 = arith.shrsi %or3A_54, %parallel_loop3A_164 : vector<16xi32>
      %parallel_loop3A_166 = arith.andi %parallel_loop3A_165, %broadcast_in_dim3A_56 : vector<16xi32>
      %parallel_loop3A_167 = arith.index_cast %parallel_loop3A_97 : i32 to index
      %parallel_loop3A_168 = arith.constant 112 : index
      %parallel_loop3A_169 = tpu.vector_load %arg6[%parallel_loop3A_167, %parallel_loop3A_168] {strides = array<i32>} : memref<200x256xi32, #tpu.memory_space<vmem>>, vector<16xi32>,
      tpu.vector_store %arg6[%parallel_loop3A_167, %parallel_loop3A_168], %parallel_loop3A_166 {strides = array<i32>} : memref<200x256xi32, #tpu.memory_space<vmem>>, vector<16xi32>,
      %parallel_loop3A_170 = arith.index_cast %parallel_loop3A_97 : i32 to index
      %parallel_loop3A_171 = arith.constant 128 : index
      %parallel_loop3A_172 = tpu.vector_load %arg6[%parallel_loop3A_170, %parallel_loop3A_171] {strides = array<i32>} : memref<200x256xi32, #tpu.memory_space<vmem>>, vector<16xi32>,
      %parallel_loop3A_173 = arith.shli %parallel_loop3A_172, %broadcast_in_dim3A_58 : vector<16xi32>
      %parallel_loop3A_174 = arith.shrsi %or3A_54, %parallel_loop3A_173 : vector<16xi32>
      %parallel_loop3A_175 = arith.andi %parallel_loop3A_174, %broadcast_in_dim3A_56 : vector<16xi32>
      %parallel_loop3A_176 = arith.index_cast %parallel_loop3A_97 : i32 to index
      %parallel_loop3A_177 = arith.constant 128 : index
      %parallel_loop3A_178 = tpu.vector_load %arg6[%parallel_loop3A_176, %parallel_loop3A_177] {strides = array<i32>} : memref<200x256xi32, #tpu.memory_space<vmem>>, vector<16xi32>,
      tpu.vector_store %arg6[%parallel_loop3A_176, %parallel_loop3A_177], %parallel_loop3A_175 {strides = array<i32>} : memref<200x256xi32, #tpu.memory_space<vmem>>, vector<16xi32>,
      %parallel_loop3A_179 = arith.index_cast %parallel_loop3A_97 : i32 to index
      %parallel_loop3A_180 = arith.constant 144 : index
      %parallel_loop3A_181 = tpu.vector_load %arg6[%parallel_loop3A_179, %parallel_loop3A_180] {strides = array<i32>} : memref<200x256xi32, #tpu.memory_space<vmem>>, vector<16xi32>,
      %parallel_loop3A_182 = arith.shli %parallel_loop3A_181, %broadcast_in_dim3A_58 : vector<16xi32>
      %parallel_loop3A_183 = arith.shrsi %or3A_54, %parallel_loop3A_182 : vector<16xi32>
      %parallel_loop3A_184 = arith.andi %parallel_loop3A_183, %broadcast_in_dim3A_56 : vector<16xi32>
      %parallel_loop3A_185 = arith.index_cast %parallel_loop3A_97 : i32 to index
      %parallel_loop3A_186 = arith.constant 144 : index
      %parallel_loop3A_187 = tpu.vector_load %arg6[%parallel_loop3A_185, %parallel_loop3A_186] {strides = array<i32>} : memref<200x256xi32, #tpu.memory_space<vmem>>, vector<16xi32>,
      tpu.vector_store %arg6[%parallel_loop3A_185, %parallel_loop3A_186], %parallel_loop3A_184 {strides = array<i32>} : memref<200x256xi32, #tpu.memory_space<vmem>>, vector<16xi32>,
      %parallel_loop3A_188 = arith.index_cast %parallel_loop3A_97 : i32 to index
      %parallel_loop3A_189 = arith.constant 160 : index
      %parallel_loop3A_190 = tpu.vector_load %arg6[%parallel_loop3A_188, %parallel_loop3A_189] {strides = array<i32>} : memref<200x256xi32, #tpu.memory_space<vmem>>, vector<16xi32>,
      %parallel_loop3A_191 = arith.shli %parallel_loop3A_190, %broadcast_in_dim3A_58 : vector<16xi32>
      %parallel_loop3A_192 = arith.shrsi %or3A_54, %parallel_loop3A_191 : vector<16xi32>
      %parallel_loop3A_193 = arith.andi %parallel_loop3A_192, %broadcast_in_dim3A_56 : vector<16xi32>
      %parallel_loop3A_194 = arith.index_cast %parallel_loop3A_97 : i32 to index
      %parallel_loop3A_195 = arith.constant 160 : index
      %parallel_loop3A_196 = tpu.vector_load %arg6[%parallel_loop3A_194, %parallel_loop3A_195] {strides = array<i32>} : memref<200x256xi32, #tpu.memory_space<vmem>>, vector<16xi32>,
      tpu.vector_store %arg6[%parallel_loop3A_194, %parallel_loop3A_195], %parallel_loop3A_193 {strides = array<i32>} : memref<200x256xi32, #tpu.memory_space<vmem>>, vector<16xi32>,
      %parallel_loop3A_197 = arith.index_cast %parallel_loop3A_97 : i32 to index
      %parallel_loop3A_198 = arith.constant 176 : index
      %parallel_loop3A_199 = tpu.vector_load %arg6[%parallel_loop3A_197, %parallel_loop3A_198] {strides = array<i32>} : memref<200x256xi32, #tpu.memory_space<vmem>>, vector<16xi32>,
      %parallel_loop3A_200 = arith.shli %parallel_loop3A_199, %broadcast_in_dim3A_58 : vector<16xi32>
      %parallel_loop3A_201 = arith.shrsi %or3A_54, %parallel_loop3A_200 : vector<16xi32>
      %parallel_loop3A_202 = arith.andi %parallel_loop3A_201, %broadcast_in_dim3A_56 : vector<16xi32>
      %parallel_loop3A_203 = arith.index_cast %parallel_loop3A_97 : i32 to index
      %parallel_loop3A_204 = arith.constant 176 : index
      %parallel_loop3A_205 = tpu.vector_load %arg6[%parallel_loop3A_203, %parallel_loop3A_204] {strides = array<i32>} : memref<200x256xi32, #tpu.memory_space<vmem>>, vector<16xi32>,
      tpu.vector_store %arg6[%parallel_loop3A_203, %parallel_loop3A_204], %parallel_loop3A_202 {strides = array<i32>} : memref<200x256xi32, #tpu.memory_space<vmem>>, vector<16xi32>,
      %parallel_loop3A_206 = arith.index_cast %parallel_loop3A_97 : i32 to index
      %parallel_loop3A_207 = arith.constant 192 : index
      %parallel_loop3A_208 = tpu.vector_load %arg6[%parallel_loop3A_206, %parallel_loop3A_207] {strides = array<i32>} : memref<200x256xi32, #tpu.memory_space<vmem>>, vector<16xi32>,
      %parallel_loop3A_209 = arith.shli %parallel_loop3A_208, %broadcast_in_dim3A_58 : vector<16xi32>
      %parallel_loop3A_210 = arith.shrsi %or3A_54, %parallel_loop3A_209 : vector<16xi32>
      %parallel_loop3A_211 = arith.andi %parallel_loop3A_210, %broadcast_in_dim3A_56 : vector<16xi32>
      %parallel_loop3A_212 = arith.index_cast %parallel_loop3A_97 : i32 to index
      %parallel_loop3A_213 = arith.constant 192 : index
      %parallel_loop3A_214 = tpu.vector_load %arg6[%parallel_loop3A_212, %parallel_loop3A_213] {strides = array<i32>} : memref<200x256xi32, #tpu.memory_space<vmem>>, vector<16xi32>,
      tpu.vector_store %arg6[%parallel_loop3A_212, %parallel_loop3A_213], %parallel_loop3A_211 {strides = array<i32>} : memref<200x256xi32, #tpu.memory_space<vmem>>, vector<16xi32>,
      %parallel_loop3A_215 = arith.index_cast %parallel_loop3A_97 : i32 to index
      %parallel_loop3A_216 = arith.constant 208 : index
      %parallel_loop3A_217 = tpu.vector_load %arg6[%parallel_loop3A_215, %parallel_loop3A_216] {strides = array<i32>} : memref<200x256xi32, #tpu.memory_space<vmem>>, vector<16xi32>,
      %parallel_loop3A_218 = arith.shli %parallel_loop3A_217, %broadcast_in_dim3A_58 : vector<16xi32>
      %parallel_loop3A_219 = arith.shrsi %or3A_54, %parallel_loop3A_218 : vector<16xi32>
      %parallel_loop3A_220 = arith.andi %parallel_loop3A_219, %broadcast_in_dim3A_56 : vector<16xi32>
      %parallel_loop3A_221 = arith.index_cast %parallel_loop3A_97 : i32 to index
      %parallel_loop3A_222 = arith.constant 208 : index
      %parallel_loop3A_223 = tpu.vector_load %arg6[%parallel_loop3A_221, %parallel_loop3A_222] {strides = array<i32>} : memref<200x256xi32, #tpu.memory_space<vmem>>, vector<16xi32>,
      tpu.vector_store %arg6[%parallel_loop3A_221, %parallel_loop3A_222], %parallel_loop3A_220 {strides = array<i32>} : memref<200x256xi32, #tpu.memory_space<vmem>>, vector<16xi32>,
      %parallel_loop3A_224 = arith.index_cast %parallel_loop3A_97 : i32 to index
      %parallel_loop3A_225 = arith.constant 224 : index
      %parallel_loop3A_226 = tpu.vector_load %arg6[%parallel_loop3A_224, %parallel_loop3A_225] {strides = array<i32>} : memref<200x256xi32, #tpu.memory_space<vmem>>, vector<16xi32>,
      %parallel_loop3A_227 = arith.shli %parallel_loop3A_226, %broadcast_in_dim3A_58 : vector<16xi32>
      %parallel_loop3A_228 = arith.shrsi %or3A_54, %parallel_loop3A_227 : vector<16xi32>
      %parallel_loop3A_229 = arith.andi %parallel_loop3A_228, %broadcast_in_dim3A_56 : vector<16xi32>
      %parallel_loop3A_230 = arith.index_cast %parallel_loop3A_97 : i32 to index
      %parallel_loop3A_231 = arith.constant 224 : index
      %parallel_loop3A_232 = tpu.vector_load %arg6[%parallel_loop3A_230, %parallel_loop3A_231] {strides = array<i32>} : memref<200x256xi32, #tpu.memory_space<vmem>>, vector<16xi32>,
      tpu.vector_store %arg6[%parallel_loop3A_230, %parallel_loop3A_231], %parallel_loop3A_229 {strides = array<i32>} : memref<200x256xi32, #tpu.memory_space<vmem>>, vector<16xi32>,
      %parallel_loop3A_233 = arith.index_cast %parallel_loop3A_97 : i32 to index
      %parallel_loop3A_234 = arith.constant 240 : index
      %parallel_loop3A_235 = tpu.vector_load %arg6[%parallel_loop3A_233, %parallel_loop3A_234] {strides = array<i32>} : memref<200x256xi32, #tpu.memory_space<vmem>>, vector<16xi32>,
      %parallel_loop3A_236 = arith.shli %parallel_loop3A_235, %broadcast_in_dim3A_58 : vector<16xi32>
      %parallel_loop3A_237 = arith.shrsi %or3A_54, %parallel_loop3A_236 : vector<16xi32>
      %parallel_loop3A_238 = arith.andi %parallel_loop3A_237, %broadcast_in_dim3A_56 : vector<16xi32>
      %parallel_loop3A_239 = arith.index_cast %parallel_loop3A_97 : i32 to index
      %parallel_loop3A_240 = arith.constant 240 : index
      %parallel_loop3A_241 = tpu.vector_load %arg6[%parallel_loop3A_239, %parallel_loop3A_240] {strides = array<i32>} : memref<200x256xi32, #tpu.memory_space<vmem>>, vector<16xi32>,
      tpu.vector_store %arg6[%parallel_loop3A_239, %parallel_loop3A_240], %parallel_loop3A_238 {strides = array<i32>} : memref<200x256xi32, #tpu.memory_space<vmem>>, vector<16xi32>,
    } {sc.loop_unroll_factor = 2 : i64, sc.parallel_access}
    %add3A_83 = arith.constant 256 : i32
    %add3A_84 = arith.addi %mul3A_2, %add3A_83 : i32
    %dma_start3A_85 = arith.constant 0 : i32
    %dma_start3A_86 = tpu.memref_slice %arg4[%dma_start3A_85, %add3A_84] : memref<200x16384xi32, #tpu.memory_space<hbm>> -> memref<200x256xi32, #tpu.memory_space<hbm>>
    %dma_start3A_87 = arith.constant 0 : i32
    %dma_start3A_88 = tpu.memref_slice %arg4[%dma_start3A_87, %add3A_84] : memref<200x16384xi32, #tpu.memory_space<hbm>> -> memref<200x256xi32, #tpu.memory_space<hbm>>
    tpu.enqueue_dma source(%arg6 : memref<200x256xi32, #tpu.memory_space<vmem>>) target(%dma_start3A_88 : memref<200x256xi32, #tpu.memory_space<hbm>>) target_semaphore(%arg11 : memref<!tpu.dma_semaphore, #tpu.memory_space<semaphore_mem>>)
    %dma_wait3A_89 = arith.constant 0 : i32
    %dma_wait3A_90 = tpu.memref_slice %arg4[%dma_wait3A_89, %add3A_71] : memref<200x16384xi32, #tpu.memory_space<hbm>> -> memref<200x256xi32, #tpu.memory_space<hbm>>
    %dma_wait3A_91 = arith.constant 0 : i32
    %dma_wait3A_92 = tpu.memref_slice %arg4[%dma_wait3A_91, %add3A_71] : memref<200x16384xi32, #tpu.memory_space<hbm>> -> memref<200x256xi32, #tpu.memory_space<hbm>>
    tpu.wait_dma2 semaphore(%arg10 : memref<!tpu.dma_semaphore, #tpu.memory_space<semaphore_mem>>) src(%arg5 : memref<200x256xi32, #tpu.memory_space<vmem>>) dst(%dma_wait3A_92 : memref<200x256xi32, #tpu.memory_space<hbm>>)
    %dma_wait3A_93 = arith.constant 0 : i32
    %dma_wait3A_94 = tpu.memref_slice %arg4[%dma_wait3A_93, %add3A_84] : memref<200x16384xi32, #tpu.memory_space<hbm>> -> memref<200x256xi32, #tpu.memory_space<hbm>>
    %dma_wait3A_95 = arith.constant 0 : i32
    %dma_wait3A_96 = tpu.memref_slice %arg4[%dma_wait3A_95, %add3A_84] : memref<200x16384xi32, #tpu.memory_space<hbm>> -> memref<200x256xi32, #tpu.memory_space<hbm>>
    tpu.wait_dma2 semaphore(%arg11 : memref<!tpu.dma_semaphore, #tpu.memory_space<semaphore_mem>>) src(%arg6 : memref<200x256xi32, #tpu.memory_space<vmem>>) dst(%dma_wait3A_96 : memref<200x256xi32, #tpu.memory_space<hbm>>)
    return
  }
}

</mosaic_0001>

<sc_bundles>
// kernel: kernel.3.cloned.1.call-start
scs
__scs_entry_jumppad:
0x0: {  	(pc) =	sbr.rel $0x88, $3  }
0x1: {  	(tag) =	ssettag $0x0;
	lr =	simm.s32 $0x1  }
0x2: {  	[smem:$0x3F9F] =	sst lr;
	_ =	strace $0xD0000000  }
0x3: {  	_ = 	snop  }
0x4: {  	_ = 	snop  }
0x5: {  	_ = 	snop  }
0x6: {  	_ = 	snop  }
0x7: {  	_ = 	snop  }
__scs_overlays_trampoline_lowered:
0x8: {  	[smem:$0x3FAE] =	sst s0  }
0x9: {  	[smem:$0x3FAF] =	sst s1  }
0xa: {  	[smem:$0x3FB0] =	sst s2  }
0xb: {  	[smem:$0x3FB1] =	sst s3  }
0xc: {  	[smem:$0x3FB2] =	sst s4  }
0xd: {  	[smem:$0x3FB3] =	sst s5  }
0xe: {  	[smem:$0x3FB4] =	sst s6  }
0xf: {  	[smem:$0x3FB5] =	sst s7  }
0x10: {  	[smem:$0x3FB6] =	sst s8  }
0x11: {  	[smem:$0x3FB7] =	sst s9;
	s0 =	simm.s32 @!p0 $0x0  }
0x12: {  	s1 =	sld [smem:$0x3F9D];
	s0 =	simm.s32 @p0 $0x1  }
0x13: {  	[smem:$0x3FB8] =	sst s0;
	s0 =	simm.s32 @!p1 $0x0  }
0x14: {  	s2 =	sld [smem:$0x3F9C];
	s0 =	simm.s32 @p1 $0x1  }
0x15: {  	[smem:$0x3FB9] =	sst s0;
	s0 =	simm.s32 @!p2 $0x0  }
0x16: {  	s3 =	sld [smem:$0x3FDB];
	s0 =	simm.s32 @p2 $0x1  }
0x17: {  	s4 =	simm.s32 $0x1BF5;
	[smem:$0x3FBB] =	sst s0  }
0x18: {  	s0 =	sld [smem:$0x3F9E];
	_ =	swait.ge [sflag:s4], $0x0  }
0x19: {  	s7 =	sld [smem:$0x3F9F]  }
0x1a: {  	s8 =	sadd.s32 $0xFFFFE003, lr  }
0x1b: {  	s9 =	sadd.s32 $0xFFFFFEF7, lr;
	s5 =	simm.s32 $0xFFFFFFFF;
	p2 =	slt.u32 s8, $0xFFFFF086  }
0x1c: {  	p1 =	slt.u32 s9, $0xF7A;
	s5 =	simm.s32 @!p2 $0x0  }
0x1d: {  	s5 =	simm.s32 @p1 $0x1;
	p0 =	seq.s32 s7, s2  }
0x1e: {  	s7 =	smul.u32 @!p0 $0xF7A, s2;
	p2 =	seq.s32 @!p0 s5, $0x0  }
0x1f: {  	s9 =	smul.u32 $0xF7A, s1;
	s8 =	simm.s32 @!p0 $0x1BF5;
	p2 =	por !p2, p0  }
0x20: {  	[sflag:s8] =	ssyncset.s32 @!p0 $0xFFFFF086;
	s6 =	sadd.s32 @!p0 s3, s7;
	s7 =	simm.s32 @!p0 $0x108  }
0x21: {  	s3 =	sadd.s32 s3, s9;
	s6 =	sadd.s32 @!p0 $0x88, s6;
	s7 =	simm.s32 @p2 $0x1082  }
0x22: {  	[simem:s7], [sflag:s8] =	dma.local @!p0 [hbm:s6], $0xF7A  }
0x23: {  	s9 =	sor.u32 $0xD0000000, s2;
	s6 =	simm.s32 $0x108;
	_ =	swait.ge @!p0 [sflag:s8], $0x0  }
0x24: {  	s3 =	sadd.s32 $0x88, s3;
	s6 =	simm.s32 @!p1 $0x1082;
	[sflag:s4] =	ssyncset.s32 $0xFFFFF086  }
0x25: {  	[simem:s6], [sflag:s4] =	dma.local [hbm:s3], $0xF7A  }
0x26: {  	[smem:$0x3F9F] =	sst s1;
	(tag) =	ssettag s2;
	_ =	strace s9  }
0x27: {  	s1 =	sld [smem:$0x3FAF]  }
0x28: {  	s2 =	sld [smem:$0x3FB0]  }
0x29: {  	s4 =	sld [smem:$0x3FB2]  }
0x2a: {  	p0 =	seq.s32 s5, $0x0;
	s5 =	sld [smem:$0x3FB3]  }
0x2b: {  	s6 =	sld [smem:$0x3FB4]  }
0x2c: {  	s7 =	sld [smem:$0x3FB5]  }
0x2d: {  	s3 =	simm.s32 $0x108;
	s8 =	sld [smem:$0x3FB6]  }
0x2e: {  	s3 =	simm.s32 @!p0 $0x1082;
	s9 =	sld [smem:$0x3FB7]  }
0x2f: {  	lr =	sadd.s32 s0, s3;
	s0 =	sld [smem:$0x3FAE]  }
0x30: {  	s3 =	sld [smem:$0x3FB1]  }
0x31: {  	[smem:$0x3FBA] =	sst s10  }
0x32: {  	s10 =	sld [smem:$0x3FB8];
	_ =	sdelay $0x3  }
0x33: {  	p0 =	seq.s32 s10, $0x1;
	s10 =	sld [smem:$0x3FBA];
	_ =	sdelay $0x3  }
0x34: {  	[smem:$0x3FBA] =	sst s10  }
0x35: {  	s10 =	sld [smem:$0x3FB9];
	_ =	sdelay $0x3  }
0x36: {  	p1 =	seq.s32 s10, $0x1;
	s10 =	sld [smem:$0x3FBA];
	_ =	sdelay $0x3  }
0x37: {  	[smem:$0x3FBA] =	sst s10  }
0x38: {  	s10 =	sld [smem:$0x3FBB]  }
0x39: {  	_ = 	snop;
	(pc) =	sbr.ind lr, $3  }
0x3a: {  	_ = 	snop  }
0x3b: {  	_ = 	snop  }
0x3c: {  	p2 =	seq.s32 s10, $0x1;
	s10 =	sld [smem:$0x3FBA]  }
0x3d: {  	_ =	shalt  }
0x3e: {  	_ =	shalt  }
0x3f: {  	_ =	shalt  }
0x40: {  	_ =	shalt  }
0x41: {  	_ =	shalt  }
0x42: {  	_ =	shalt  }
0x43: {  	_ =	shalt  }
0x44: {  	_ =	shalt  }
0x45: {  	_ =	shalt  }
0x46: {  	_ =	shalt  }
0x47: {  	_ =	shalt  }
0x48: {  	_ =	shalt  }
0x49: {  	_ =	shalt  }
0x4a: {  	_ =	shalt  }
0x4b: {  	_ =	shalt  }
0x4c: {  	_ =	shalt  }
0x4d: {  	_ =	shalt  }
0x4e: {  	_ =	shalt  }
0x4f: {  	_ =	shalt  }
0x50: {  	_ =	shalt  }
0x51: {  	_ =	shalt  }
0x52: {  	_ =	shalt  }
0x53: {  	_ =	shalt  }
0x54: {  	_ =	shalt  }
0x55: {  	_ =	shalt  }
0x56: {  	_ =	shalt  }
0x57: {  	_ =	shalt  }
0x58: {  	_ =	shalt  }
0x59: {  	_ =	shalt  }
0x5a: {  	_ =	shalt  }
0x5b: {  	_ =	shalt  }
0x5c: {  	_ =	shalt  }
0x5d: {  	_ =	shalt  }
0x5e: {  	_ =	shalt  }
0x5f: {  	_ =	shalt  }
0x60: {  	_ =	shalt  }
0x61: {  	_ =	shalt  }
0x62: {  	_ =	shalt  }
0x63: {  	_ =	shalt  }
0x64: {  	_ =	shalt  }
0x65: {  	_ =	shalt  }
0x66: {  	_ =	shalt  }
0x67: {  	_ =	shalt  }
0x68: {  	_ =	shalt  }
0x69: {  	_ =	shalt  }
0x6a: {  	_ =	shalt  }
0x6b: {  	_ =	shalt  }
0x6c: {  	_ =	shalt  }
0x6d: {  	_ =	shalt  }
0x6e: {  	_ =	shalt  }
0x6f: {  	_ =	shalt  }
0x70: {  	_ =	shalt  }
0x71: {  	_ =	shalt  }
0x72: {  	_ =	shalt  }
0x73: {  	_ =	shalt  }
0x74: {  	_ =	shalt  }
0x75: {  	_ =	shalt  }
0x76: {  	_ =	shalt  }
0x77: {  	_ =	shalt  }
0x78: {  	_ =	shalt  }
0x79: {  	_ =	shalt  }
0x7a: {  	_ =	shalt  }
0x7b: {  	_ =	shalt  }
0x7c: {  	_ =	shalt  }
0x7d: {  	_ =	shalt  }
0x7e: {  	_ =	shalt  }
0x7f: {  	_ =	shalt  }
0x80: {  	_ =	shalt  }
0x81: {  	_ =	shalt  }
0x82: {  	_ =	shalt  }
0x83: {  	_ =	shalt  }
0x84: {  	_ =	shalt  }
0x85: {  	_ =	shalt  }
0x86: {  	_ =	shalt  }
0x87: {  	_ =	shalt  }
.Lfunc_end0:
.L_simem_size_0:
called_computation_lowered:
.L_overlay_start_0:
0x88: {  	s2 =	sld [smem:$0x3FD9]  }
0x89: {  	s3 =	sld [smem:$0x3FFE];
	_ =	sdelay $0x1  }
0x8a: {  	s1 =	srdreg.scid  }
0x8b: {  	s0 =	sand.u32 $0x1, s1  }
0x8c: {  	s17 =	sshll.u32 s0, $0xA;
	s2 =	sadd.s32 s3, s2  }
0x8d: {  	s2 =	sadd.s32 s2, s17  }
0x8e: {  	[smem:$0x3FC6] =	sst s2  }
0x8f: {  	_ = 	snop  }
0x90: {  	s2 =	sld [smem:$0x3FC9]  }
0x91: {  	s18 =	sld [smem:$0x3FD0];
	(tm) =	ssettm $0x1  }
0x92: {  	s4 =	sld [smem:$0x3FFB];
	_ =	sdelay $0x3  }
0x93: {  	_ =	strace s4  }
0x94: {  	s4 =	sld [smem:$0x3FFC];
	_ =	sdelay $0x3  }
0x95: {  	_ =	strace s4  }
0x96: {  	s4 =	sld [smem:$0x3FFD];
	_ =	sdelay $0x3  }
0x97: {  	_ =	strace s4  }
0x98: {  	_ =	strace $0x8FFFFFFF  }
0x99: {  	s19 =	sld [smem:$0x3FDB];
	_ =	sdelay $0x1  }
0x9a: {  	s5 =	simm.s32 $_scs_section_size  }
0x9b: {  	s6 =	simm.s32 $_size__tile_overlayer_lowered;
	s7 =	simm.s32 $_tile_overlayer_lowered  }
0x9c: {  	s22 =	simm.s32 $0x1BFF;
	s21 =	sshll.u32 s7, $0x1;
	s4 =	sadd.s32 s5, s19  }
0x9d: {  	s8 =	simm.s32 $0x0;
	s20 =	sshll.u32 s6, $0x1;
	s6 =	sadd.s32 s21, s4  }
0x9e: {  	[timem:s8], [sflag:s22] =	dma.local [hbm:s6], s20  }
0x9f: {  	_ =	swait.ge [sflag:s22], s20  }
0xa0: {  	s5 =	ssub.s32 $0x0, s20;
	[sflag:s22] =	ssyncset.done $0x0  }
0xa1: {  	[sflag:s22] =	ssyncadd.s32 s5;
	_ =	sdelay $0x1  }
0xa2: {  	s23 =	simm.s32 $0x1B8B  }
0xa3: {  	_ =	swait.ge [sflag:s23], $0x1  }
0xa4: {  	[sflag:s23] =	ssyncset.done $0x0  }
0xa5: {  	s25 =	simm.s32 $0x1B8E;
	s24 =	sld [smem:$0x3FFE];
	[sflag:s23] =	ssyncadd.s32 $0xFFFFFFFF  }
0xa6: {  	s26 =	simm.s32 $execute0_lowered;
	[smem:$0x3FD2] =	sst s25  }
0xa7: {  	s6 =	sshll.u32 s26, $0x1;
	_ =	strace $0x80000046;
	[dreg:$0x1] =	wrdreg $0xFFFFFFFF  }
0xa8: {  	s28 =	simm.s32 $_size_execute0_lowered;
	s4 =	sadd.s32 s4, s6;
	[dreg:$0x0] =	wrdreg $0x0  }
0xa9: {  	s6 =	sshll.u32 s28, $0x1;
	[dreg:$0x2] =	wrdreg s4  }
0xaa: {  	[dreg:$0x3] =	wrdreg s6  }
0xab: {  	[dreg:$0x4] =	wrdreg $0xC0  }
0xac: {  	_ =	task [dreg:s8], $0x5FFFF  }
0xad: {  	[dreg:$0x1] =	wrdreg $0xFFFFFFFF  }
0xae: {  	[dreg:$0x0] =	wrdreg $0x60  }
0xaf: {  	[dreg:$0x2] =	wrdreg s2  }
0xb0: {  	[dreg:$0x3] =	wrdreg s24  }
0xb1: {  	[dreg:$0x4] =	wrdreg s18  }
0xb2: {  	[dreg:$0x5] =	wrdreg $0x9  }
0xb3: {  	_ =	task.clear_ibuf [dreg:s8], $0x6FFFF;
	_ =	strace $0x90000046  }
0xb4: {  	s29 =	simm.s32 $0x9;
	_ =	strace $0x80000048  }
0xb5: {  	_ =	swait.ge [sflag:s29], $0x1  }
0xb6: {  	[sflag:s29] =	ssyncadd.s32 $0xFFFFFFFF  }
0xb7: {  	_ =	strace $0x90000048  }
0xb8: {  	_ =	sfence  }
0xb9: {  	s30 =	sld [smem:$0x0];
	_ =	sdelay $0x2  }
0xba: {  	s31 =	sshll.u32 s1, $0xD;
	s1 =	sshrl.u32 s1, $0x2  }
0xbb: {  	s3 =	sand.u32 $0x4000, s31;
	s1 =	sadd.s32 s1, s30  }
0xbc: {  	s0 =	sor.u32 s3, s0;
	s1 =	sshll.u32 s1, $0x11  }
0xbd: {  	s0 =	sor.u32 s1, s0  }
0xbe: {  	s0 =	sadd.s32 $0x8F2B, s0  }
0xbf: {  	[sflag:s0] =	ssyncadd.remote.s32 $0x1  }
0xc0: {  	_ =	sfence.sel $0xFFFF  }
0xc1: {  	[dreg:$0x0] =	wrdreg $0xFFFFFFFF;
	(pc) =	sbr.abs _section_cstart, $3  }
0xc2: {  	[dreg:$0x1] =	wrdreg $0xFFFFFFFF  }
0xc3: {  	_ =	task.clear_ibuf [dreg:s8], $0x2FFFF;
	_ =	strace $0x9FFFFFFF  }
0xc4: {  	(tm) =	ssettm $0x7FFFFFFF  }
0xc5: {  	_ =	shalt  }
tec
execute0_lowered:
.L_overlay_start_1:
0x0: {  	(tag) =	ssettag $0x1  }
0x1: {  	s5 =	rddreg [dreg:$0x0]  }
0x2: {  	s3 =	rddreg [dreg:$0x1]  }
0x3: {  	s7 =	rddreg [dreg:$0x2]  }
0x4: {  	s0 =	rddreg [dreg:$0x3];
	s2 =	simm.s32 $0x0;
	s4 =	srdreg.scid  }
0x5: {  	s1 =	stileid.u32;
	s11 =	simm.s32 $0x19000;
	s12 =	simm.s32 $0x5  }
0x6: {  	s13 =	simm.s32 $0xC800;
	s14 =	simm.s32 $0x1;
	s15 =	simm.s32 $0x2  }
0x7: {  	s16 =	simm.s32 $0x3;
	s17 =	simm.s32 $0x4;
	s18 =	simm.s32 $0x0  }
0x8: {  	[smem:$0x7FF] =	sst s2;
	s4 =	sand.u32 $0x1, s4;
	s8 =	sshll.u32 s1, $0xA  }
0x9: {  	s3 =	sadd.s32 $0x400, s3;
	s6 =	ssub.s32 $0x2, s4;
	s4 =	sshll.u32 s4, $0x9  }
0xa: {  	_ =	strace $0x80000047;
	s9 =	sshrl.u32 s6, $0x1;
	s8 =	sor.u32 s4, s8  }
0xb: {  	s9 =	ssub.s32 s6, s9;
	s10 =	sor.u32 $0x100, s8;
	s4 =	sadd.s32 s5, s8  }
0xc: {  	s6 =	sadd.s32 s7, s8;
	s5 =	sadd.s32 s5, s10;
	s7 =	sadd.s32 s7, s10  }
0xd: {  	vm0 =	vmmov $0x1;
	vm1 =	vcmask $0x308;
	vm2 =	vcmask $0x70C;
	s8 =	smax.u32 s9, $0x1;
	s9 =	simm.s32 $0x800;
	s10 =	simm.s32 $0x20000  }
.LBB2_1:
0xe: {  	[tilespmem:s2], [sflag:$0x1] =	stream.strided.gather [hbm4b:s4+s9], $0xC800, s10, s9, $0x38;
	[tilespmem:$0x19080] =	vst v63  }
0xf: {  	_ = 	snop  }
0x10: {  	[tilespmem:s11], [sflag:$0x5] =	stream.linear.gather [hbm4b:s3+s2], $0x80, $0x38;
	[tilespmem:$0x19080] =	vst v63  }
0x11: {  	_ =	swait.ge [sflag:s12], $0x80  }
0x12: {  	[sflag:s12] =	ssyncset.done $0x0  }
0x13: {  	[sflag:s12] =	ssyncadd.s32 $0xFFFFFF80  }
0x14: {  	v0 =	vld [tilespmem:$0x19000];
	_ =	sdelay $0x4  }
0x15: {  	v1 =	vnsel vm0, $0x80000000, v0  }
0x16: {  	v1 =	vxor.u32 $0x80000000, v1  }
0x17: {  	(xrf0) =	vmax.scan.msk.u32 $0xffff, v1;
	_ =	sdelay $0x5  }
0x18: {  	v1, _, _ =	vpop (xrf0)  }
0x19: {  	(v2sf) =	vpush v1, $0xF;
	_ =	sdelay $0x5  }
0x1a: {  	v1 =	vsel vm1, $0x80000000, v0  }
0x1b: {  	v0 =	vsel vm2, $0x80000000, v0;
	v1 =	vxor.u32 $0x80000000, v1  }
0x1c: {  	v0 =	vxor.u32 $0x80000000, v0;
	(xrf0) =	vmax.scan.msk.u32 $0xffff, v1  }
0x1d: {  	(xrf0) =	vmax.scan.msk.u32 $0xffff, v0;
	_ =	sdelay $0x4  }
0x1e: {  	[tilespmem:s13], [sflag:$0x2] =	stream.strided.gather [hbm4b:s5+s9], $0xC800, s10, s9, $0x38;
	v0, _, _ =	vpop (xrf0);
	[tilespmem:$0x19080] =	vst v63  }
0x1f: {  	v1, _, _ =	vpop (xrf0);
	s20 =	spop (v2sf)  }
0x20: {  	v0 =	vshll.u32 v0, $0x8;
	_ =	swait.ge [sflag:s14], $0xC800  }
0x21: {  	s19 =	sand.u32 $0xF800, s2;
	s21 =	sand.u32 $0x300, s2;
	v0 =	vbroadcast v0, $0xF;
	v1 =	vshll.u32 v1, $0x10;
	[sflag:s14] =	ssyncset.done $0x0  }
0x22: {  	s19 =	sor.u32 s21, s19;
	v1 =	vbroadcast v1, $0xF;
	s20 =	sxor.u32 $0x80000000, s20;
	[sflag:s14] =	ssyncadd.s32 $0xFFFF3800  }
0x23: {  	v0 =	vor.u32 s20, v0;
	v2 =	vld [tilespmem:s19+$0x0]  }
0x24: {  	v0 =	vor.u32 v1, v0;
	v1 =	vld [tilespmem:s19+$0x30];
	_ =	sdelay $0x1  }
0x25: {  	v4 =	vld [tilespmem:s19+$0x20]  }
0x26: {  	v0 =	vbroadcast v0, $0x0;
	v6 =	vld [tilespmem:s19+$0x50]  }
0x27: {  	v3 =	vld [tilespmem:s19+$0x10];
	v2 =	vshll.u32 v2, $0x3  }
0x28: {  	v5 =	vld [tilespmem:s19+$0x40];
	v1 =	vshll.u32 v1, $0x3;
	v2 =	vshra.s32 v0, v2  }
0x29: {  	v8 =	vld [tilespmem:s19+$0x70];
	v1 =	vshra.s32 v0, v1;
	v2 =	vand.u32 $0xFF, v2  }
0x2a: {  	v1 =	vand.u32 $0xFF, v1;
	[tilespmem:s19+$0x0] =	vst v2;
	v2 =	vshll.u32 v4, $0x3  }
0x2b: {  	v7 =	vld [tilespmem:s19+$0x60];
	[tilespmem:s19+$0x30] =	vst v1;
	v1 =	vshll.u32 v6, $0x3;
	v2 =	vshra.s32 v0, v2  }
0x2c: {  	v3 =	vshll.u32 v3, $0x3;
	v1 =	vshra.s32 v0, v1;
	v2 =	vand.u32 $0xFF, v2  }
0x2d: {  	v9 =	vld [tilespmem:s19+$0x4F0];
	v3 =	vshra.s32 v0, v3;
	v1 =	vand.u32 $0xFF, v1;
	[tilespmem:s19+$0x20] =	vst v2;
	v2 =	vshll.u32 v5, $0x3  }
0x2e: {  	v3 =	vand.u32 $0xFF, v3;
	[tilespmem:s19+$0x50] =	vst v1;
	v1 =	vshll.u32 v8, $0x3;
	v2 =	vshra.s32 v0, v2  }
0x2f: {  	v4 =	vld [tilespmem:s19+$0x400];
	[tilespmem:s19+$0x10] =	vst v3;
	v1 =	vshra.s32 v0, v1;
	v2 =	vand.u32 $0xFF, v2  }
0x30: {  	v3 =	vld [tilespmem:s19+$0x410];
	v1 =	vand.u32 $0xFF, v1;
	[tilespmem:s19+$0x40] =	vst v2;
	v2 =	vshll.u32 v7, $0x3  }
0x31: {  	[tilespmem:s19+$0x70] =	vst v1;
	v1 =	vld [tilespmem:s19+$0x80];
	v2 =	vshra.s32 v0, v2  }
0x32: {  	v9 =	vshll.u32 v9, $0x3;
	v5 =	vld [tilespmem:s19+$0x420];
	v2 =	vand.u32 $0xFF, v2  }
0x33: {  	v6 =	vld [tilespmem:s19+$0x430];
	[tilespmem:s19+$0x60] =	vst v2;
	v2 =	vshra.s32 v0, v9  }
0x34: {  	v4 =	vshll.u32 v4, $0x3;
	v7 =	vld [tilespmem:s19+$0x440];
	v2 =	vand.u32 $0xFF, v2  }
0x35: {  	v3 =	vshll.u32 v3, $0x3;
	v4 =	vshra.s32 v0, v4;
	[tilespmem:s19+$0x4F0] =	vst v2;
	v2 =	vld [tilespmem:s19+$0x90]  }
0x36: {  	v11 =	vld [tilespmem:s19+$0xA0];
	v3 =	vshra.s32 v0, v3;
	v4 =	vand.u32 $0xFF, v4;
	v1 =	vshll.u32 v1, $0x3  }
0x37: {  	v12 =	vld [tilespmem:s19+$0xB0];
	v3 =	vand.u32 $0xFF, v3;
	v5 =	vshll.u32 v5, $0x3;
	[tilespmem:s19+$0x400] =	vst v4;
	v1 =	vshra.s32 v0, v1  }
0x38: {  	v8 =	vld [tilespmem:s19+$0x450];
	v6 =	vshll.u32 v6, $0x3;
	[tilespmem:s19+$0x410] =	vst v3;
	v4 =	vshra.s32 v0, v5;
	v1 =	vand.u32 $0xFF, v1  }
0x39: {  	v9 =	vld [tilespmem:s19+$0x460];
	v3 =	vand.u32 $0xFF, v4;
	v4 =	vshra.s32 v0, v6;
	[tilespmem:s19+$0x80] =	vst v1;
	v1 =	vshll.u32 v7, $0x3  }
0x3a: {  	v10 =	vld [tilespmem:s19+$0x470];
	[tilespmem:s19+$0x420] =	vst v3;
	v3 =	vand.u32 $0xFF, v4;
	v4 =	vshra.s32 v0, v1;
	v2 =	vshll.u32 v2, $0x3  }
0x3b: {  	v13 =	vld [tilespmem:s19+$0xC0];
	[tilespmem:s19+$0x430] =	vst v3;
	v3 =	vshll.u32 v11, $0x3;
	v4 =	vand.u32 $0xFF, v4;
	v2 =	vshra.s32 v0, v2  }
0x3c: {  	v5 =	vld [tilespmem:s19+$0xD0];
	v3 =	vshra.s32 v0, v3;
	[tilespmem:s19+$0x440] =	vst v4;
	v4 =	vshll.u32 v12, $0x3;
	v2 =	vand.u32 $0xFF, v2  }
0x3d: {  	v14 =	vld [tilespmem:s19+$0xE0];
	v3 =	vand.u32 $0xFF, v3;
	v4 =	vshra.s32 v0, v4;
	[tilespmem:s19+$0x90] =	vst v2;
	v2 =	vshll.u32 v8, $0x3  }
0x3e: {  	v6 =	vld [tilespmem:s19+$0xF0];
	[tilespmem:s19+$0xA0] =	vst v3;
	v3 =	vshll.u32 v9, $0x3;
	v4 =	vand.u32 $0xFF, v4;
	v7 =	vshra.s32 v0, v2  }
0x3f: {  	v1 =	vld [tilespmem:s19+$0x480];
	v8 =	vshra.s32 v0, v3;
	[tilespmem:s19+$0xB0] =	vst v4;
	v4 =	vshll.u32 v10, $0x3;
	v7 =	vand.u32 $0xFF, v7  }
0x40: {  	v2 =	vld [tilespmem:s19+$0x490];
	v8 =	vand.u32 $0xFF, v8;
	v9 =	vshra.s32 v0, v4;
	[tilespmem:s19+$0x450] =	vst v7;
	v7 =	vshll.u32 v13, $0x3  }
0x41: {  	v5 =	vshll.u32 v5, $0x3;
	v3 =	vld [tilespmem:s19+$0x4A0];
	[tilespmem:s19+$0x460] =	vst v8;
	v8 =	vand.u32 $0xFF, v9;
	v7 =	vshra.s32 v0, v7  }
0x42: {  	v5 =	vshra.s32 v0, v5;
	v4 =	vld [tilespmem:s19+$0x4B0];
	v9 =	vshll.u32 v14, $0x3;
	[tilespmem:s19+$0x470] =	vst v8;
	v7 =	vand.u32 $0xFF, v7  }
0x43: {  	s22 =	simm.s32 $0x200;
	s21 =	simm.s32 $0x100;
	s20 =	simm.s32 $0x0;
	v6 =	vshll.u32 v6, $0x3;
	v8 =	vshra.s32 v0, v9;
	[tilespmem:s19+$0xC0] =	vst v7;
	v7 =	vand.u32 $0xFF, v5;
	v5 =	vld [tilespmem:s19+$0x4C0]  }
.LBB2_2:
0x44: {  	s23 =	sand.u32 $0xF800, s22;
	s24 =	sand.u32 $0x300, s21;
	s20 =	sadd.s32 $0x2, s20;
	[tilespmem:s19+$0xD0] =	vst v7;
	v7 =	vand.u32 $0xFF, v8;
	v6 =	vshra.s32 v0, v6;
	v1 =	vshll.u32 v1, $0x3;
	v8 =	vld [tilespmem:s19+$0x4D0]  }
0x45: {  	s23 =	sor.u32 s24, s23;
	p0 =	slt.u32 s20, $0xC6;
	[tilespmem:s19+$0xE0] =	vst v7;
	v6 =	vand.u32 $0xFF, v6;
	v1 =	vshra.s32 v0, v1;
	v2 =	vshll.u32 v2, $0x3;
	v7 =	vld [tilespmem:s19+$0x4E0]  }
0x46: {  	v9 =	vld [tilespmem:s23+$0x4F0];
	[tilespmem:s19+$0xF0] =	vst v6;
	v1 =	vand.u32 $0xFF, v1;
	v2 =	vshra.s32 v0, v2;
	v3 =	vshll.u32 v3, $0x3  }
0x47: {  	v6 =	vld [tilespmem:s23+$0x0];
	[tilespmem:s19+$0x480] =	vst v1;
	v1 =	vand.u32 $0xFF, v2;
	v2 =	vshra.s32 v0, v3;
	v3 =	vshll.u32 v4, $0x3  }
0x48: {  	v4 =	vld [tilespmem:s23+$0x10];
	[tilespmem:s19+$0x490] =	vst v1;
	v1 =	vand.u32 $0xFF, v2;
	v2 =	vshra.s32 v0, v3;
	v3 =	vshll.u32 v5, $0x3  }
0x49: {  	v5 =	vld [tilespmem:s23+$0x20];
	[tilespmem:s19+$0x4A0] =	vst v1;
	v1 =	vand.u32 $0xFF, v2;
	v2 =	vshra.s32 v0, v3;
	v3 =	vshll.u32 v8, $0x3  }
0x4a: {  	v8 =	vld [tilespmem:s23+$0x30];
	[tilespmem:s19+$0x4B0] =	vst v1;
	v1 =	vand.u32 $0xFF, v2;
	v2 =	vshra.s32 v0, v3;
	v3 =	vshll.u32 v7, $0x3  }
0x4b: {  	v7 =	vld [tilespmem:s23+$0x40];
	v9 =	vshll.u32 v9, $0x3;
	[tilespmem:s19+$0x4C0] =	vst v1;
	v1 =	vand.u32 $0xFF, v2;
	v2 =	vshra.s32 v0, v3  }
0x4c: {  	v3 =	vshll.u32 v6, $0x3;
	v6 =	vld [tilespmem:s23+$0x50];
	v9 =	vshra.s32 v0, v9;
	[tilespmem:s19+$0x4D0] =	vst v1;
	v1 =	vand.u32 $0xFF, v2  }
0x4d: {  	v2 =	vshra.s32 v0, v3;
	v3 =	vshll.u32 v4, $0x3;
	v4 =	vld [tilespmem:s23+$0x60];
	v9 =	vand.u32 $0xFF, v9;
	[tilespmem:s19+$0x4E0] =	vst v1;
	s19 =	smov.u32 s23  }
0x4e: {  	v1 =	vand.u32 $0xFF, v2;
	v2 =	vshra.s32 v0, v3;
	v3 =	vshll.u32 v5, $0x3;
	v5 =	vld [tilespmem:s19+$0x70];
	[tilespmem:s19+$0x4F0] =	vst v9  }
0x4f: {  	[tilespmem:s19+$0x0] =	vst v1;
	v1 =	vand.u32 $0xFF, v2;
	v2 =	vshra.s32 v0, v3;
	v3 =	vshll.u32 v8, $0x3;
	v8 =	vld [tilespmem:s19+$0x400]  }
0x50: {  	[tilespmem:s19+$0x10] =	vst v1;
	v1 =	vand.u32 $0xFF, v2;
	v2 =	vshra.s32 v0, v3;
	v3 =	vshll.u32 v7, $0x3;
	v7 =	vld [tilespmem:s19+$0x410]  }
0x51: {  	[tilespmem:s19+$0x20] =	vst v1;
	v1 =	vand.u32 $0xFF, v2;
	v2 =	vshra.s32 v0, v3;
	v3 =	vshll.u32 v6, $0x3;
	v6 =	vld [tilespmem:s19+$0x420]  }
0x52: {  	[tilespmem:s19+$0x30] =	vst v1;
	v1 =	vand.u32 $0xFF, v2;
	v2 =	vshra.s32 v0, v3;
	v3 =	vshll.u32 v4, $0x3;
	v4 =	vld [tilespmem:s19+$0x430]  }
0x53: {  	[tilespmem:s19+$0x40] =	vst v1;
	v1 =	vand.u32 $0xFF, v2;
	v2 =	vshra.s32 v0, v3;
	v3 =	vshll.u32 v5, $0x3;
	v5 =	vld [tilespmem:s19+$0x440]  }
0x54: {  	[tilespmem:s19+$0x50] =	vst v1;
	v1 =	vand.u32 $0xFF, v2;
	v2 =	vshra.s32 v0, v3;
	v3 =	vshll.u32 v8, $0x3;
	v8 =	vld [tilespmem:s19+$0x450]  }
0x55: {  	[tilespmem:s19+$0x60] =	vst v1;
	v1 =	vand.u32 $0xFF, v2;
	v2 =	vshra.s32 v0, v3;
	v3 =	vshll.u32 v7, $0x3;
	v7 =	vld [tilespmem:s19+$0x460]  }
0x56: {  	[tilespmem:s19+$0x70] =	vst v1;
	v1 =	vand.u32 $0xFF, v2;
	v2 =	vshra.s32 v0, v3;
	v3 =	vshll.u32 v6, $0x3;
	v6 =	vld [tilespmem:s19+$0x470]  }
0x57: {  	[tilespmem:s19+$0x400] =	vst v1;
	v1 =	vand.u32 $0xFF, v2;
	v2 =	vshra.s32 v0, v3;
	v3 =	vshll.u32 v4, $0x3;
	v4 =	vld [tilespmem:s19+$0x80]  }
0x58: {  	[tilespmem:s19+$0x410] =	vst v1;
	v1 =	vand.u32 $0xFF, v2;
	v2 =	vshra.s32 v0, v3;
	v3 =	vshll.u32 v5, $0x3;
	v5 =	vld [tilespmem:s19+$0x90]  }
0x59: {  	[tilespmem:s19+$0x420] =	vst v1;
	v1 =	vand.u32 $0xFF, v2;
	v2 =	vshra.s32 v0, v3;
	v3 =	vshll.u32 v8, $0x3;
	v8 =	vld [tilespmem:s19+$0xA0]  }
0x5a: {  	[tilespmem:s19+$0x430] =	vst v1;
	v1 =	vand.u32 $0xFF, v2;
	v2 =	vshra.s32 v0, v3;
	v3 =	vshll.u32 v7, $0x3;
	v7 =	vld [tilespmem:s19+$0xB0]  }
0x5b: {  	[tilespmem:s19+$0x440] =	vst v1;
	v1 =	vand.u32 $0xFF, v2;
	v2 =	vshra.s32 v0, v3;
	v3 =	vshll.u32 v6, $0x3;
	v6 =	vld [tilespmem:s19+$0xC0]  }
0x5c: {  	[tilespmem:s19+$0x450] =	vst v1;
	v1 =	vand.u32 $0xFF, v2;
	v2 =	vshra.s32 v0, v3;
	v3 =	vshll.u32 v4, $0x3;
	v4 =	vld [tilespmem:s19+$0xD0]  }
0x5d: {  	[tilespmem:s19+$0x460] =	vst v1;
	v1 =	vand.u32 $0xFF, v2;
	v2 =	vshra.s32 v0, v3;
	v3 =	vshll.u32 v5, $0x3;
	v5 =	vld [tilespmem:s19+$0xE0]  }
0x5e: {  	[tilespmem:s19+$0x470] =	vst v1;
	v1 =	vand.u32 $0xFF, v2;
	v2 =	vshra.s32 v0, v3;
	v3 =	vshll.u32 v8, $0x3;
	v9 =	vld [tilespmem:s19+$0xF0]  }
.Ltmp0:
0x5f: {  	[tilespmem:s19+$0x80] =	vst v1;
	v2 =	vand.u32 $0xFF, v2;
	v3 =	vshra.s32 v0, v3;
	v7 =	vshll.u32 v7, $0x3;
	v1 =	vld [tilespmem:s19+$0x480];
	(pc) =	sbr.rel @p0 .LBB2_2-.Ltmp0, $4  }
0x60: {  	[tilespmem:s19+$0x90] =	vst v2;
	v3 =	vand.u32 $0xFF, v3;
	v7 =	vshra.s32 v0, v7;
	v6 =	vshll.u32 v6, $0x3;
	v2 =	vld [tilespmem:s19+$0x490]  }
0x61: {  	[tilespmem:s19+$0xA0] =	vst v3;
	v7 =	vand.u32 $0xFF, v7;
	v6 =	vshra.s32 v0, v6;
	v4 =	vshll.u32 v4, $0x3;
	v3 =	vld [tilespmem:s19+$0x4A0]  }
0x62: {  	[tilespmem:s19+$0xB0] =	vst v7;
	v6 =	vand.u32 $0xFF, v6;
	v7 =	vshra.s32 v0, v4;
	v5 =	vshll.u32 v5, $0x3;
	v4 =	vld [tilespmem:s19+$0x4B0]  }
0x63: {  	s21 =	sadd.s32 $0x100, s21;
	s22 =	sadd.s32 $0x200, s22;
	[tilespmem:s19+$0xC0] =	vst v6;
	v7 =	vand.u32 $0xFF, v7;
	v8 =	vshra.s32 v0, v5;
	v6 =	vshll.u32 v9, $0x3;
	v5 =	vld [tilespmem:s19+$0x4C0]  }
0x64: {  	[tilespmem:s19+$0xD0] =	vst v7;
	v7 =	vand.u32 $0xFF, v8;
	v8 =	vld [tilespmem:s19+$0x4D0];
	v6 =	vshra.s32 v0, v6;
	v1 =	vshll.u32 v1, $0x3  }
0x65: {  	[tilespmem:s19+$0xE0] =	vst v7;
	v6 =	vand.u32 $0xFF, v6;
	v1 =	vshra.s32 v0, v1;
	v2 =	vshll.u32 v2, $0x3;
	v7 =	vld [tilespmem:s19+$0x4E0]  }
0x66: {  	[tilespmem:s19+$0xF0] =	vst v6;
	v1 =	vand.u32 $0xFF, v1;
	v2 =	vshra.s32 v0, v2;
	v3 =	vshll.u32 v3, $0x3  }
0x67: {  	[tilespmem:s19+$0x480] =	vst v1;
	v1 =	vand.u32 $0xFF, v2;
	v2 =	vshra.s32 v0, v3;
	v3 =	vshll.u32 v4, $0x3  }
0x68: {  	[tilespmem:s19+$0x490] =	vst v1;
	v1 =	vand.u32 $0xFF, v2;
	v2 =	vshra.s32 v0, v3;
	v3 =	vshll.u32 v5, $0x3  }
0x69: {  	[tilespmem:s19+$0x4A0] =	vst v1;
	v1 =	vand.u32 $0xFF, v2;
	v2 =	vshra.s32 v0, v3;
	v3 =	vshll.u32 v8, $0x3  }
0x6a: {  	[tilespmem:s19+$0x4B0] =	vst v1;
	v1 =	vand.u32 $0xFF, v2;
	v2 =	vshra.s32 v0, v3;
	v3 =	vshll.u32 v7, $0x3  }
0x6b: {  	[tilespmem:s19+$0x4C0] =	vst v1;
	v1 =	vand.u32 $0xFF, v2;
	v2 =	vshra.s32 v0, v3  }
0x6c: {  	[tilespmem:s19+$0x4D0] =	vst v1;
	v1 =	vand.u32 $0xFF, v2  }
0x6d: {  	s31 =	simm.s32 $0x0;
	[tilespmem:s19+$0x4E0] =	vst v1  }
0x6e: {  	[hbm4b:s6+s9] =	stream.strided.scatter [tilespmem:s31], [sflag:$0x3], $0xC800, s10, s9, $0x38;
	[tilespmem:$0x19080] =	vst v63  }
0x6f: {  	_ =	swait.ge [sflag:s15], $0xC800  }
0x70: {  	s20 =	sand.u32 $0xF800, s31;
	s19 =	sand.u32 $0x300, s31;
	[sflag:s15] =	ssyncset.done $0x0  }
0x71: {  	s19 =	sor.u32 s19, s20;
	[sflag:s15] =	ssyncadd.s32 $0xFFFF3800  }
0x72: {  	v1 =	vld [tilespmem:s19+$0xC800];
	_ =	sdelay $0x2  }
0x73: {  	v3 =	vld [tilespmem:s19+$0xC820]  }
0x74: {  	v2 =	vld [tilespmem:s19+$0xC810]  }
0x75: {  	v1 =	vshll.u32 v1, $0x3  }
0x76: {  	v5 =	vld [tilespmem:s19+$0xC840];
	v1 =	vshra.s32 v0, v1  }
0x77: {  	v4 =	vld [tilespmem:s19+$0xC830];
	v1 =	vand.u32 $0xFF, v1  }
0x78: {  	[tilespmem:s19+$0xC800] =	vst v1;
	v1 =	vshll.u32 v3, $0x3  }
0x79: {  	v7 =	vld [tilespmem:s19+$0xC860];
	v2 =	vshll.u32 v2, $0x3;
	v1 =	vshra.s32 v0, v1  }
0x7a: {  	v6 =	vld [tilespmem:s19+$0xC850];
	v2 =	vshra.s32 v0, v2;
	v1 =	vand.u32 $0xFF, v1  }
0x7b: {  	v9 =	vld [tilespmem:s19+$0xCCF0];
	v2 =	vand.u32 $0xFF, v2;
	[tilespmem:s19+$0xC820] =	vst v1;
	v1 =	vshll.u32 v5, $0x3  }
0x7c: {  	[tilespmem:s19+$0xC810] =	vst v2;
	v2 =	vshll.u32 v4, $0x3;
	v1 =	vshra.s32 v0, v1  }
0x7d: {  	v8 =	vld [tilespmem:s19+$0xC870];
	v2 =	vshra.s32 v0, v2;
	v1 =	vand.u32 $0xFF, v1  }
0x7e: {  	v2 =	vand.u32 $0xFF, v2;
	[tilespmem:s19+$0xC840] =	vst v1;
	v1 =	vshll.u32 v7, $0x3  }
0x7f: {  	[tilespmem:s19+$0xC830] =	vst v2;
	v2 =	vshll.u32 v6, $0x3;
	v1 =	vshra.s32 v0, v1  }
0x80: {  	v9 =	vshll.u32 v9, $0x3;
	v3 =	vld [tilespmem:s19+$0xCC00];
	v2 =	vshra.s32 v0, v2;
	v1 =	vand.u32 $0xFF, v1  }
0x81: {  	v4 =	vld [tilespmem:s19+$0xCC10];
	v2 =	vand.u32 $0xFF, v2;
	[tilespmem:s19+$0xC860] =	vst v1;
	v1 =	vshra.s32 v0, v9  }
0x82: {  	v5 =	vld [tilespmem:s19+$0xCC20];
	[tilespmem:s19+$0xC850] =	vst v2;
	v2 =	vshll.u32 v8, $0x3;
	v1 =	vand.u32 $0xFF, v1  }
0x83: {  	v2 =	vshra.s32 v0, v2;
	[tilespmem:s19+$0xCCF0] =	vst v1;
	v1 =	vld [tilespmem:s19+$0xC880]  }
0x84: {  	v6 =	vld [tilespmem:s19+$0xCC30];
	v2 =	vand.u32 $0xFF, v2  }
0x85: {  	v3 =	vshll.u32 v3, $0x3;
	[tilespmem:s19+$0xC870] =	vst v2;
	v2 =	vld [tilespmem:s19+$0xC890]  }
0x86: {  	v4 =	vshll.u32 v4, $0x3;
	v7 =	vld [tilespmem:s19+$0xCC40];
	v3 =	vshra.s32 v0, v3  }
0x87: {  	v11 =	vld [tilespmem:s19+$0xC8A0];
	v4 =	vshra.s32 v0, v4;
	v3 =	vand.u32 $0xFF, v3;
	v5 =	vshll.u32 v5, $0x3  }
0x88: {  	v8 =	vld [tilespmem:s19+$0xCC50];
	[tilespmem:s19+$0xCC00] =	vst v3;
	v3 =	vand.u32 $0xFF, v4;
	v4 =	vshra.s32 v0, v5;
	v1 =	vshll.u32 v1, $0x3  }
0x89: {  	v12 =	vld [tilespmem:s19+$0xC8B0];
	v6 =	vshll.u32 v6, $0x3;
	[tilespmem:s19+$0xCC10] =	vst v3;
	v3 =	vand.u32 $0xFF, v4;
	v1 =	vshra.s32 v0, v1  }
0x8a: {  	v9 =	vld [tilespmem:s19+$0xCC60];
	v4 =	vshra.s32 v0, v6;
	[tilespmem:s19+$0xCC20] =	vst v3;
	v2 =	vshll.u32 v2, $0x3;
	v1 =	vand.u32 $0xFF, v1  }
0x8b: {  	v13 =	vld [tilespmem:s19+$0xC8C0];
	v3 =	vand.u32 $0xFF, v4;
	v2 =	vshra.s32 v0, v2;
	[tilespmem:s19+$0xC880] =	vst v1;
	v1 =	vshll.u32 v7, $0x3  }
0x8c: {  	v10 =	vld [tilespmem:s19+$0xCC70];
	[tilespmem:s19+$0xCC30] =	vst v3;
	v3 =	vshll.u32 v11, $0x3;
	v2 =	vand.u32 $0xFF, v2;
	v4 =	vshra.s32 v0, v1  }
0x8d: {  	v5 =	vld [tilespmem:s19+$0xC8D0];
	v3 =	vshra.s32 v0, v3;
	[tilespmem:s19+$0xC890] =	vst v2;
	v2 =	vshll.u32 v8, $0x3;
	v4 =	vand.u32 $0xFF, v4  }
0x8e: {  	v14 =	vld [tilespmem:s19+$0xC8E0];
	v3 =	vand.u32 $0xFF, v3;
	v7 =	vshra.s32 v0, v2;
	[tilespmem:s19+$0xCC40] =	vst v4;
	v4 =	vshll.u32 v12, $0x3  }
0x8f: {  	v6 =	vld [tilespmem:s19+$0xC8F0];
	[tilespmem:s19+$0xC8A0] =	vst v3;
	v3 =	vshll.u32 v9, $0x3;
	v7 =	vand.u32 $0xFF, v7;
	v4 =	vshra.s32 v0, v4  }
0x90: {  	v8 =	vshra.s32 v0, v3;
	v1 =	vld [tilespmem:s19+$0xCC80];
	[tilespmem:s19+$0xCC50] =	vst v7;
	v7 =	vshll.u32 v13, $0x3;
	v4 =	vand.u32 $0xFF, v4  }
0x91: {  	v8 =	vand.u32 $0xFF, v8;
	v2 =	vld [tilespmem:s19+$0xCC90];
	v7 =	vshra.s32 v0, v7;
	[tilespmem:s19+$0xC8B0] =	vst v4;
	v4 =	vshll.u32 v10, $0x3  }
0x92: {  	v5 =	vshll.u32 v5, $0x3;
	v3 =	vld [tilespmem:s19+$0xCCA0];
	[tilespmem:s19+$0xCC60] =	vst v8;
	v7 =	vand.u32 $0xFF, v7;
	v9 =	vshra.s32 v0, v4  }
0x93: {  	v5 =	vshra.s32 v0, v5;
	[tilespmem:s19+$0xC8C0] =	vst v7;
	v4 =	vld [tilespmem:s19+$0xCCB0];
	v8 =	vand.u32 $0xFF, v9;
	v9 =	vshll.u32 v14, $0x3  }
0x94: {  	s21 =	simm.s32 $0x100;
	s22 =	simm.s32 $0x200;
	s20 =	simm.s32 $0x0;
	v6 =	vshll.u32 v6, $0x3;
	v7 =	vand.u32 $0xFF, v5;
	v5 =	vld [tilespmem:s19+$0xCCC0];
	[tilespmem:s19+$0xCC70] =	vst v8;
	v8 =	vshra.s32 v0, v9  }
.LBB2_4:
0x95: {  	s23 =	sand.u32 $0xF800, s22;
	s24 =	sand.u32 $0x300, s21;
	s20 =	sadd.s32 $0x2, s20;
	[tilespmem:s19+$0xC8D0] =	vst v7;
	v7 =	vand.u32 $0xFF, v8;
	v6 =	vshra.s32 v0, v6;
	v1 =	vshll.u32 v1, $0x3;
	v8 =	vld [tilespmem:s19+$0xCCD0]  }
0x96: {  	s23 =	sor.u32 s24, s23;
	p0 =	slt.u32 s20, $0xC6;
	[tilespmem:s19+$0xC8E0] =	vst v7;
	v6 =	vand.u32 $0xFF, v6;
	v1 =	vshra.s32 v0, v1;
	v2 =	vshll.u32 v2, $0x3;
	v7 =	vld [tilespmem:s19+$0xCCE0]  }
0x97: {  	v9 =	vld [tilespmem:s23+$0xCCF0];
	[tilespmem:s19+$0xC8F0] =	vst v6;
	v1 =	vand.u32 $0xFF, v1;
	v2 =	vshra.s32 v0, v2;
	v3 =	vshll.u32 v3, $0x3  }
0x98: {  	v6 =	vld [tilespmem:s23+$0xC800];
	[tilespmem:s19+$0xCC80] =	vst v1;
	v1 =	vand.u32 $0xFF, v2;
	v2 =	vshra.s32 v0, v3;
	v3 =	vshll.u32 v4, $0x3  }
0x99: {  	v4 =	vld [tilespmem:s23+$0xC810];
	[tilespmem:s19+$0xCC90] =	vst v1;
	v1 =	vand.u32 $0xFF, v2;
	v2 =	vshra.s32 v0, v3;
	v3 =	vshll.u32 v5, $0x3  }
0x9a: {  	v5 =	vld [tilespmem:s23+$0xC820];
	[tilespmem:s19+$0xCCA0] =	vst v1;
	v1 =	vand.u32 $0xFF, v2;
	v2 =	vshra.s32 v0, v3;
	v3 =	vshll.u32 v8, $0x3  }
0x9b: {  	v8 =	vld [tilespmem:s23+$0xC830];
	[tilespmem:s19+$0xCCB0] =	vst v1;
	v1 =	vand.u32 $0xFF, v2;
	v2 =	vshra.s32 v0, v3;
	v3 =	vshll.u32 v7, $0x3  }
0x9c: {  	v7 =	vld [tilespmem:s23+$0xC840];
	v9 =	vshll.u32 v9, $0x3;
	[tilespmem:s19+$0xCCC0] =	vst v1;
	v1 =	vand.u32 $0xFF, v2;
	v2 =	vshra.s32 v0, v3  }
0x9d: {  	v3 =	vshll.u32 v6, $0x3;
	v6 =	vld [tilespmem:s23+$0xC850];
	v9 =	vshra.s32 v0, v9;
	[tilespmem:s19+$0xCCD0] =	vst v1;
	v1 =	vand.u32 $0xFF, v2  }
0x9e: {  	v2 =	vshra.s32 v0, v3;
	v3 =	vshll.u32 v4, $0x3;
	v4 =	vld [tilespmem:s23+$0xC860];
	v9 =	vand.u32 $0xFF, v9;
	[tilespmem:s19+$0xCCE0] =	vst v1;
	s19 =	smov.u32 s23  }
0x9f: {  	v1 =	vand.u32 $0xFF, v2;
	v2 =	vshra.s32 v0, v3;
	v3 =	vshll.u32 v5, $0x3;
	v5 =	vld [tilespmem:s19+$0xC870];
	[tilespmem:s19+$0xCCF0] =	vst v9  }
0xa0: {  	[tilespmem:s19+$0xC800] =	vst v1;
	v1 =	vand.u32 $0xFF, v2;
	v2 =	vshra.s32 v0, v3;
	v3 =	vshll.u32 v8, $0x3;
	v8 =	vld [tilespmem:s19+$0xCC00]  }
0xa1: {  	[tilespmem:s19+$0xC810] =	vst v1;
	v1 =	vand.u32 $0xFF, v2;
	v2 =	vshra.s32 v0, v3;
	v3 =	vshll.u32 v7, $0x3;
	v7 =	vld [tilespmem:s19+$0xCC10]  }
0xa2: {  	[tilespmem:s19+$0xC820] =	vst v1;
	v1 =	vand.u32 $0xFF, v2;
	v2 =	vshra.s32 v0, v3;
	v3 =	vshll.u32 v6, $0x3;
	v6 =	vld [tilespmem:s19+$0xCC20]  }
0xa3: {  	[tilespmem:s19+$0xC830] =	vst v1;
	v1 =	vand.u32 $0xFF, v2;
	v2 =	vshra.s32 v0, v3;
	v3 =	vshll.u32 v4, $0x3;
	v4 =	vld [tilespmem:s19+$0xCC30]  }
0xa4: {  	[tilespmem:s19+$0xC840] =	vst v1;
	v1 =	vand.u32 $0xFF, v2;
	v2 =	vshra.s32 v0, v3;
	v3 =	vshll.u32 v5, $0x3;
	v5 =	vld [tilespmem:s19+$0xCC40]  }
0xa5: {  	[tilespmem:s19+$0xC850] =	vst v1;
	v1 =	vand.u32 $0xFF, v2;
	v2 =	vshra.s32 v0, v3;
	v3 =	vshll.u32 v8, $0x3;
	v8 =	vld [tilespmem:s19+$0xCC50]  }
0xa6: {  	[tilespmem:s19+$0xC860] =	vst v1;
	v1 =	vand.u32 $0xFF, v2;
	v2 =	vshra.s32 v0, v3;
	v3 =	vshll.u32 v7, $0x3;
	v7 =	vld [tilespmem:s19+$0xCC60]  }
0xa7: {  	[tilespmem:s19+$0xC870] =	vst v1;
	v1 =	vand.u32 $0xFF, v2;
	v2 =	vshra.s32 v0, v3;
	v3 =	vshll.u32 v6, $0x3;
	v6 =	vld [tilespmem:s19+$0xCC70]  }
0xa8: {  	[tilespmem:s19+$0xCC00] =	vst v1;
	v1 =	vand.u32 $0xFF, v2;
	v2 =	vshra.s32 v0, v3;
	v3 =	vshll.u32 v4, $0x3;
	v4 =	vld [tilespmem:s19+$0xC880]  }
0xa9: {  	[tilespmem:s19+$0xCC10] =	vst v1;
	v1 =	vand.u32 $0xFF, v2;
	v2 =	vshra.s32 v0, v3;
	v3 =	vshll.u32 v5, $0x3;
	v5 =	vld [tilespmem:s19+$0xC890]  }
0xaa: {  	[tilespmem:s19+$0xCC20] =	vst v1;
	v1 =	vand.u32 $0xFF, v2;
	v2 =	vshra.s32 v0, v3;
	v3 =	vshll.u32 v8, $0x3;
	v8 =	vld [tilespmem:s19+$0xC8A0]  }
0xab: {  	[tilespmem:s19+$0xCC30] =	vst v1;
	v1 =	vand.u32 $0xFF, v2;
	v2 =	vshra.s32 v0, v3;
	v3 =	vshll.u32 v7, $0x3;
	v7 =	vld [tilespmem:s19+$0xC8B0]  }
0xac: {  	[tilespmem:s19+$0xCC40] =	vst v1;
	v1 =	vand.u32 $0xFF, v2;
	v2 =	vshra.s32 v0, v3;
	v3 =	vshll.u32 v6, $0x3;
	v6 =	vld [tilespmem:s19+$0xC8C0]  }
0xad: {  	[tilespmem:s19+$0xCC50] =	vst v1;
	v1 =	vand.u32 $0xFF, v2;
	v2 =	vshra.s32 v0, v3;
	v3 =	vshll.u32 v4, $0x3;
	v4 =	vld [tilespmem:s19+$0xC8D0]  }
0xae: {  	[tilespmem:s19+$0xCC60] =	vst v1;
	v1 =	vand.u32 $0xFF, v2;
	v2 =	vshra.s32 v0, v3;
	v3 =	vshll.u32 v5, $0x3;
	v5 =	vld [tilespmem:s19+$0xC8E0]  }
0xaf: {  	[tilespmem:s19+$0xCC70] =	vst v1;
	v1 =	vand.u32 $0xFF, v2;
	v2 =	vshra.s32 v0, v3;
	v3 =	vshll.u32 v8, $0x3;
	v9 =	vld [tilespmem:s19+$0xC8F0]  }
.Ltmp1:
0xb0: {  	[tilespmem:s19+$0xC880] =	vst v1;
	v2 =	vand.u32 $0xFF, v2;
	v3 =	vshra.s32 v0, v3;
	v7 =	vshll.u32 v7, $0x3;
	v1 =	vld [tilespmem:s19+$0xCC80];
	(pc) =	sbr.rel @p0 .LBB2_4-.Ltmp1, $4  }
0xb1: {  	[tilespmem:s19+$0xC890] =	vst v2;
	v3 =	vand.u32 $0xFF, v3;
	v7 =	vshra.s32 v0, v7;
	v6 =	vshll.u32 v6, $0x3;
	v2 =	vld [tilespmem:s19+$0xCC90]  }
0xb2: {  	[tilespmem:s19+$0xC8A0] =	vst v3;
	v7 =	vand.u32 $0xFF, v7;
	v6 =	vshra.s32 v0, v6;
	v4 =	vshll.u32 v4, $0x3;
	v3 =	vld [tilespmem:s19+$0xCCA0]  }
0xb3: {  	[tilespmem:s19+$0xC8B0] =	vst v7;
	v6 =	vand.u32 $0xFF, v6;
	v7 =	vshra.s32 v0, v4;
	v5 =	vshll.u32 v5, $0x3;
	v4 =	vld [tilespmem:s19+$0xCCB0]  }
0xb4: {  	s21 =	sadd.s32 $0x100, s21;
	s22 =	sadd.s32 $0x200, s22;
	[tilespmem:s19+$0xC8C0] =	vst v6;
	v7 =	vand.u32 $0xFF, v7;
	v8 =	vshra.s32 v0, v5;
	v6 =	vshll.u32 v9, $0x3;
	v5 =	vld [tilespmem:s19+$0xCCC0]  }
0xb5: {  	[tilespmem:s19+$0xC8D0] =	vst v7;
	v47 =	vand.u32 $0xFF, v8;
	v48 =	vld [tilespmem:s19+$0xCCD0];
	v6 =	vshra.s32 v0, v6;
	v1 =	vshll.u32 v1, $0x3  }
0xb6: {  	v49 =	vld [tilespmem:s19+$0xCCE0];
	[tilespmem:s19+$0xC8E0] =	vst v47;
	v6 =	vand.u32 $0xFF, v6;
	v1 =	vshra.s32 v0, v1;
	v2 =	vshll.u32 v2, $0x3  }
0xb7: {  	[tilespmem:s19+$0xC8F0] =	vst v6;
	v1 =	vand.u32 $0xFF, v1;
	v2 =	vshra.s32 v0, v2;
	v3 =	vshll.u32 v3, $0x3  }
0xb8: {  	[tilespmem:s19+$0xCC80] =	vst v1;
	v50 =	vand.u32 $0xFF, v2;
	v51 =	vshra.s32 v0, v3;
	v52 =	vshll.u32 v4, $0x3  }
0xb9: {  	[tilespmem:s19+$0xCC90] =	vst v50;
	v53 =	vand.u32 $0xFF, v51;
	v54 =	vshra.s32 v0, v52;
	v55 =	vshll.u32 v5, $0x3  }
0xba: {  	[tilespmem:s19+$0xCCA0] =	vst v53;
	v56 =	vand.u32 $0xFF, v54;
	v57 =	vshra.s32 v0, v55;
	v58 =	vshll.u32 v48, $0x3  }
0xbb: {  	v61 =	vshll.u32 v49, $0x3;
	[tilespmem:s19+$0xCCB0] =	vst v56;
	v59 =	vand.u32 $0xFF, v57;
	v60 =	vshra.s32 v0, v58  }
0xbc: {  	v63 =	vshra.s32 v0, v61;
	[tilespmem:s19+$0xCCC0] =	vst v59;
	v62 =	vand.u32 $0xFF, v60  }
0xbd: {  	v0 =	vand.u32 $0xFF, v63;
	[tilespmem:s19+$0xCCD0] =	vst v62  }
0xbe: {  	s18 =	sadd.s32 $0x1, s18;
	[tilespmem:s19+$0xCCE0] =	vst v0  }
0xbf: {  	[hbm4b:s7+s9] =	stream.strided.scatter [tilespmem:s13], [sflag:$0x4], $0xC800, s10, s9, $0x38;
	[tilespmem:$0x19080] =	vst v63  }
0xc0: {  	p0 =	sne.s32 s18, s8;
	_ =	swait.ge [sflag:s16], $0xC800  }
.Ltmp2:
0xc1: {  	[sflag:s16] =	ssyncset.done $0x0;
	(pc) =	sbr.rel @p0 .LBB2_1-.Ltmp2, $4  }
0xc2: {  	[sflag:s16] =	ssyncadd.s32 $0xFFFF3800  }
0xc3: {  	_ =	swait.ge [sflag:s17], $0xC800  }
0xc4: {  	[sflag:s17] =	ssyncset.done $0x0  }
0xc5: {  	[sflag:s17] =	ssyncadd.s32 $0xFFFF3800  }
0xc6: {  	_ =	sfence.sel $0x180000  }
0xc7: {  	[bflag:$0x0] =	sbarrier.arrive $0xFFFF  }
0xc8: {  	p0 =	sne.s32 s1, $0x0;
	_ =	strace $0x90000047  }
0xc9: {  	s0 =	sadd.s32 @!p0 $0x100000, s0;
	[bflag:$0x2] =	sbarrier.arrive $0xFFFF  }
0xca: {  	[sflag:s0] =	ssyncadd.tile.s32 @!p0 $0x1;
	_ =	shalt  }
.Lfunc_end2:
_tile_overlayer_lowered:
.L_overlay_start_2:
0xcb: {  	(tag) =	ssettag $0x2  }
0xcc: {  	s0 =	rddreg [dreg:$0x0];
	s2 =	stileid.u32  }
0xcd: {  	s1 =	rddreg [dreg:$0x1];
	p0 =	sne.s32 s2, $0x0  }
0xce: {  	s3 =	rddreg [dreg:$0x2];
	[bflag:$0x3] =	sbarrier.arrive $0xFFFF;
	s2 =	simm.s32 @!p0 $0x1C05  }
0xcf: {  	[timem:s3], [sflag:s2] =	dma.local @!p0 [hbm:s0], s1  }
0xd0: {  	s0 =	simm.s32 @!p0 $0x5  }
0xd1: {  	_ =	swait.ge @!p0 [sflag:s0], s1  }
0xd2: {  	s1 =	ssub.s32 @!p0 $0x0, s1;
	[sflag:s0] =	ssyncset.done @!p0 $0x0  }
0xd3: {  	[sflag:s0] =	ssyncadd.s32 @!p0 s1  }
0xd4: {  	[bflag:$0x3] =	sbarrier.arrive $0xFFFF  }
0xd5: {  	_ =	shalt  }

</sc_bundles>
